<compile_context>
chip_gen: v7x
topology: tpu7x:2x2x1
jax: 0.10.2.dev20260603
libtpu: 0.0.44.dev20260713+nightly
codegen_flags: <defaults>
</compile_context>

<pallas_src>
import functools

import jax
import jax.numpy as jnp
from jax import lax
from jax.experimental import pallas as pl
from jax.experimental.pallas import tpu as pltpu
from jax.experimental.pallas import tpu_sc as plsc

_L = 2048
_D = 64
_IPB = _L // 4


def _mo16(x):
    return pl.multiple_of(x, 16)


def _sc_body(tab1_hbm, out_hbm, ttmp, band1d, cfill, staged, sem):
    nc = 2
    wid = lax.axis_index("s") * nc + lax.axis_index("c")
    octet = wid % 8
    ibase = (wid // 8) * _IPB
    d8 = octet * 8
    iota16 = lax.iota(jnp.int32, 16)

    pltpu.sync_copy(tab1_hbm.at[pl.ds(d8 * 272, 8 * 272)], ttmp)
    for dl in range(8):
        tbase = dl * 272
        t0 = jnp.full((16,), ttmp[pl.ds(tbase, 16)][0], jnp.float32)
        t256 = jnp.full((16,), ttmp[pl.ds(tbase + 256, 16)][0], jnp.float32)

        def _lo(m, carry, dl=dl, t0=t0):
            band1d[pl.ds(_mo16(dl * 1024 + 16 * m), 16)] = t0
            return carry

        def _mid(m, carry, dl=dl, tbase=tbase):
            vals = plsc.load_gather(ttmp, [tbase + 1 + 16 * m + iota16])
            band1d[pl.ds(_mo16(dl * 1024 + 384 + 16 * m), 16)] = vals
            return carry

        def _hi(m, carry, dl=dl, t256=t256):
            band1d[pl.ds(_mo16(dl * 1024 + 640 + 16 * m), 16)] = t256
            return carry

        def _cf(m, carry, dl=dl, t0=t0, t256=t256):
            cfill[dl, pl.ds(_mo16(16 * m), 16)] = t0
            cfill[dl, pl.ds(_mo16(256 + 16 * m), 16)] = t256
            return carry

        lax.fori_loop(0, 24, _lo, 0)
        lax.fori_loop(0, 16, _mid, 0)
        lax.fori_loop(0, 24, _hi, 0)
        lax.fori_loop(0, 16, _cf, 0)

    def _mk_copies(i, b):
        wstart = (jnp.clip(i - 128, 0, 1536) // 256) * 256
        nw = wstart // 256
        copies = [
            pltpu.make_async_copy(
                staged.at[b],
                out_hbm.at[i, pl.ds(d8, 8), pl.ds(wstart, 512)],
                sem,
            )
        ]
        for c in range(6):
            is_pre = c < nw
            dst_j = jnp.where(is_pre, 256 * c, wstart + 512 + 256 * c - 256 * nw)
            src_j = jnp.where(is_pre, 0, 256)
            copies.append(
                pltpu.make_async_copy(
                    cfill.at[:, pl.ds(src_j, 256)],
                    out_hbm.at[i, pl.ds(d8, 8), pl.ds(dst_j, 256)],
                    sem,
                )
            )
        return copies

    def _row(r, carry):
        i = ibase + r
        b = lax.rem(r, 3)
        wstart = (jnp.clip(i - 128, 0, 1536) // 256) * 256
        obase = wstart + 511 - i

        def _stage(m, carry):
            col = obase + 16 * m + iota16
            for dl in range(8):
                vals = plsc.load_gather(band1d, [col + 1024 * dl])
                staged[b, dl, pl.ds(_mo16(16 * m), 16)] = vals
            return carry

        lax.fori_loop(0, 32, _stage, 0)
        for cp in _mk_copies(i, b):
            cp.start()

        @pl.when(r > 1)
        def _drain_prev():
            for cp in _mk_copies(i - 2, lax.rem(r + 1, 3)):
                cp.wait()

        return carry

    lax.fori_loop(0, _IPB, _row, 0)
    for rr in (_IPB - 2, _IPB - 1):
        for cp in _mk_copies(ibase + rr, lax.rem(rr, 3)):
            cp.wait()


def kernel(embeddings_table, length_q, length_k):
    del length_q, length_k
    run = functools.partial(
        pl.kernel,
        out_type=jax.ShapeDtypeStruct((_L, _D, _L), jnp.float32),
        mesh=plsc.VectorSubcoreMesh(core_axis_name="c", subcore_axis_name="s"),
        compiler_params=pltpu.CompilerParams(needs_layout_passes=False),
        scratch_types=[
            pltpu.VMEM((8 * 272,), jnp.float32),
            pltpu.VMEM((8 * 1024,), jnp.float32),
            pltpu.VMEM((8, 512), jnp.float32),
            pltpu.VMEM((3, 8, 512), jnp.float32),
            pltpu.SemaphoreType.DMA,
        ],
    )(_sc_body)
    out_t = run(jnp.pad(embeddings_table.T, ((0, 0), (0, 15))).reshape(-1))
    return jnp.swapaxes(out_t, 1, 2)

# --- scband reference (transcript-rebuilt; emitter-appended) ---
"""Pipeline reference for scband-scaled-relative-position-180388627047 (READ-ONLY COPY).

The authoritative reference and input builder live on the scoring server;
editing this copy changes nothing except your own understanding.
"""

import jax, jax.numpy as jnp
import numpy as np
import math

MAX_REL = 128
NUM_UNITS = 64


def setup_inputs(seed: int = 0) -> dict:
    key = jax.random.key(seed)
    vocab = MAX_REL * 2 + 1
    # xavier_uniform init: U(-a, a), a = sqrt(6/(fan_in+fan_out))
    a = math.sqrt(6.0 / (vocab + NUM_UNITS))
    embeddings_table = jax.random.uniform(key, (vocab, NUM_UNITS), minval=-a, maxval=a, dtype=jnp.float32)
    return {"embeddings_table": embeddings_table, "length_q": 2048, "length_k": 2048}


def _final_mat(length_q, length_k, max_rel):
    L = max(length_q, length_k)
    range_vec = jnp.arange(L)
    distance_mat = range_vec[None, :] - range_vec[:, None]
    square_mat = jnp.clip(distance_mat, -max_rel, max_rel) + max_rel
    if length_k == length_q:
        return square_mat
    elif length_k > length_q:
        coeff = length_k / length_q
        rows = np.floor(np.arange(length_q) * coeff).astype(np.int64)
        return square_mat[rows, :]
    else:
        coeff = length_q / length_k
        cols = np.floor(np.arange(length_k) * coeff).astype(np.int64)
        return square_mat[:, cols]


def reference(embeddings_table, length_q, length_k):
    final_mat = _final_mat(2048, 2048, MAX_REL)
    final_mat = final_mat + length_q * 0 + length_k * 0
    embeddings = jnp.take(embeddings_table, final_mat, axis=0)
    return embeddings

if __name__ == "__main__":
    import jax
    _d = setup_inputs()
    print(jax.jit(kernel)(*tuple(_d.values())))

</pallas_src>

<mosaic_0001>
#map = affine_map<(d0, d1) -> (0)>
#map1 = affine_map<(d0, d1) -> (0, 0, 0)>
module attributes {stable_mosaic.version = 14 : i64} {
  func.func @_sc_body(%arg0: i32, %arg1: i32, %arg2: memref<17408xf32, #tpu.memory_space<hbm>>, %arg3: memref<2048x64x2048xf32, #tpu.memory_space<hbm>>, %arg4: memref<2176xf32, #tpu.memory_space<vmem>>, %arg5: memref<8192xf32, #tpu.memory_space<vmem>>, %arg6: memref<8x512xf32, #tpu.memory_space<vmem>>, %arg7: memref<3x8x512xf32, #tpu.memory_space<vmem>>, %arg8: memref<!tpu.dma_semaphore, #tpu.memory_space<semaphore_mem>>) attributes {dimension_semantics = [#tpu.dimension_semantics<core_parallel>, #tpu.dimension_semantics<subcore_parallel>], iteration_bounds = array<i64: 2, 16>, scalar_prefetch = 0 : i64, scratch_operands = 5 : i64, tpu.core_type = #tpu.core_type<sc_vector_subcore>, window_params = [{transform_indices = #map}, {transform_indices = #map1}]} {
    %mul3A = arith.constant 2 : i32
    %mul3A_0 = arith.muli %arg1, %mul3A : i32
    %add3A = arith.addi %mul3A_0, %arg0 : i32
    %jit3A = arith.constant 8 : i32
    %eq3A = arith.constant 0 : i32
    %eq3A_1 = arith.cmpi eq, %jit3A, %eq3A : i32
    %jit3A_2 = arith.constant 1 : i32
    %select_n3A = arith.select %eq3A_1, %jit3A_2, %jit3A : i32
    %rem3A = arith.remsi %add3A, %select_n3A : i32
    %ne3A = arith.constant 0 : i32
    %ne3A_3 = arith.cmpi ne, %rem3A, %ne3A : i32
    %lt3A = arith.constant 0 : i32
    %lt3A_4 = arith.cmpi slt, %rem3A, %lt3A : i32
    %lt3A_5 = arith.constant 0 : i32
    %lt3A_6 = arith.cmpi slt, %select_n3A, %lt3A_5 : i32
    %ne3A_7 = arith.xori %lt3A_4, %lt3A_6 : i1
    %and3A = arith.andi %ne3A_7, %ne3A_3 : i1
    %add3A_8 = arith.addi %rem3A, %select_n3A : i32
    %select_n3A_9 = arith.select %and3A, %add3A_8, %rem3A : i32
    %jit3A_10 = arith.constant 8 : i32
    %div3A = arith.divsi %add3A, %jit3A_10 : i32
    %sign3A = arith.constant 0 : i32
    %sign3A_11 = arith.cmpi sgt, %add3A, %sign3A : i32
    %sign3A_12 = arith.extui %sign3A_11 : i1 to i32
    %sign3A_13 = arith.constant 0 : i32
    %sign3A_14 = arith.cmpi slt, %add3A, %sign3A_13 : i32
    %sign3A_15 = arith.extui %sign3A_14 : i1 to i32
    %sign3A_16 = arith.subi %sign3A_12, %sign3A_15 : i32
    %sign3A_17 = arith.constant 0 : i32
    %sign3A_18 = arith.cmpi sgt, %jit3A_10, %sign3A_17 : i32
    %sign3A_19 = arith.extui %sign3A_18 : i1 to i32
    %sign3A_20 = arith.constant 0 : i32
    %sign3A_21 = arith.cmpi slt, %jit3A_10, %sign3A_20 : i32
    %sign3A_22 = arith.extui %sign3A_21 : i1 to i32
    %sign3A_23 = arith.subi %sign3A_19, %sign3A_22 : i32
    %ne3A_24 = arith.cmpi ne, %sign3A_16, %sign3A_23 : i32
    %rem3A_25 = arith.remsi %add3A, %jit3A_10 : i32
    %ne3A_26 = arith.constant 0 : i32
    %ne3A_27 = arith.cmpi ne, %rem3A_25, %ne3A_26 : i32
    %and3A_28 = arith.andi %ne3A_24, %ne3A_27 : i1
    %sub3A = arith.constant 1 : i32
    %sub3A_29 = arith.subi %div3A, %sub3A : i32
    %select_n3A_30 = arith.select %and3A_28, %sub3A_29, %div3A : i32
    %mul3A_31 = arith.constant 512 : i32
    %mul3A_32 = arith.muli %select_n3A_30, %mul3A_31 : i32
    %mul3A_33 = arith.constant 8 : i32
    %mul3A_34 = arith.muli %select_n3A_9, %mul3A_33 : i32
    %iota3A = tpu.iota {dimensions = array<i32: 0>} : vector<16xi32>
    %mul3A_35 = arith.constant 272 : i32
    %mul3A_36 = arith.muli %mul3A_34, %mul3A_35 : i32
    "tpu.region"() ({
      %run_scoped3A = tpu.sem_alloc : memref<!tpu.dma_semaphore, #tpu.memory_space<semaphore_mem>>
      %dma_start3A = tpu.memref_slice %arg2[%mul3A_36] : memref<17408xf32, #tpu.memory_space<hbm>> -> memref<2176xf32, #tpu.memory_space<hbm>>
      %dma_start3A_716 = tpu.memref_slice %arg2[%mul3A_36] : memref<17408xf32, #tpu.memory_space<hbm>> -> memref<2176xf32, #tpu.memory_space<hbm>>
      tpu.enqueue_dma source(%dma_start3A_716 : memref<2176xf32, #tpu.memory_space<hbm>>) target(%arg4 : memref<2176xf32, #tpu.memory_space<vmem>>) target_semaphore(%run_scoped3A : memref<!tpu.dma_semaphore, #tpu.memory_space<semaphore_mem>>)
      %dma_wait3A_717 = tpu.memref_slice %arg2[%mul3A_36] : memref<17408xf32, #tpu.memory_space<hbm>> -> memref<2176xf32, #tpu.memory_space<hbm>>
      %dma_wait3A_718 = tpu.memref_slice %arg2[%mul3A_36] : memref<17408xf32, #tpu.memory_space<hbm>> -> memref<2176xf32, #tpu.memory_space<hbm>>
      tpu.wait_dma2 semaphore(%run_scoped3A : memref<!tpu.dma_semaphore, #tpu.memory_space<semaphore_mem>>) src(%dma_wait3A_718 : memref<2176xf32, #tpu.memory_space<hbm>>) dst(%arg4 : memref<2176xf32, #tpu.memory_space<vmem>>)
      tpu.yield
    }) : () -> ()
    %get3A = arith.constant 0 : index
    %get3A_37 = tpu.vector_load %arg4[%get3A] {strides = array<i32>} : memref<2176xf32, #tpu.memory_space<vmem>>, vector<16xf32>,
    %slice3A = vector.extract_strided_slice %get3A_37 {offsets = [0], sizes = [1], strides = [1]} : vector<16xf32> to vector<1xf32>
    %squeeze3A = vector.extract %slice3A[0] : f32 from vector<1xf32>
    %broadcast_in_dim3A = vector.broadcast %squeeze3A : f32 to vector<16xf32>
    %get3A_38 = arith.constant 256 : index
    %get3A_39 = tpu.vector_load %arg4[%get3A_38] {strides = array<i32>} : memref<2176xf32, #tpu.memory_space<vmem>>, vector<16xf32>,
    %slice3A_40 = vector.extract_strided_slice %get3A_39 {offsets = [0], sizes = [1], strides = [1]} : vector<16xf32> to vector<1xf32>
    %squeeze3A_41 = vector.extract %slice3A_40[0] : f32 from vector<1xf32>
    %broadcast_in_dim3A_42 = vector.broadcast %squeeze3A_41 : f32 to vector<16xf32>
    %scan3A = arith.constant 0 : i32
    %scan3A_43 = arith.constant 0 : i32
    %scan3A_44 = arith.constant 24 : i32
    %scan3A_45 = arith.addi %scan3A_43, %scan3A_44 : i32
    %scan3A_46 = arith.constant 1 : i32
    scf.for %scan3A_716 = %scan3A_43 to %scan3A_45 step %scan3A_46  : i32 {
      %mul3A_717 = arith.constant 16 : i32
      %mul3A_718 = arith.muli %mul3A_717, %scan3A_716 : i32
      %add3A_719 = arith.constant 0 : i32
      %add3A_720 = arith.addi %add3A_719, %mul3A_718 : i32
      %multiple_of3A = tpu.assume_multiple %add3A_720, 16 : i32
      %swap3A = arith.index_cast %multiple_of3A : i32 to index
      %swap3A_721 = tpu.vector_load %arg5[%swap3A] {strides = array<i32>} : memref<8192xf32, #tpu.memory_space<vmem>>, vector<16xf32>,
      tpu.vector_store %arg5[%swap3A], %broadcast_in_dim3A {strides = array<i32>} : memref<8192xf32, #tpu.memory_space<vmem>>, vector<16xf32>,
    }
    %scan3A_47 = arith.constant 24 : i32
    %scan3A_48 = arith.constant 0 : i32
    %scan3A_49 = arith.constant 0 : i32
    %scan3A_50 = arith.constant 16 : i32
    %scan3A_51 = arith.addi %scan3A_49, %scan3A_50 : i32
    %scan3A_52 = arith.constant 1 : i32
    scf.for %scan3A_716 = %scan3A_49 to %scan3A_51 step %scan3A_52  : i32 {
      %mul3A_717 = arith.constant 16 : i32
      %mul3A_718 = arith.muli %mul3A_717, %scan3A_716 : i32
      %add3A_719 = arith.constant 1 : i32
      %add3A_720 = arith.addi %add3A_719, %mul3A_718 : i32
      %add3A_721 = vector.broadcast %add3A_720 : i32 to vector<16xi32>
      %add3A_722 = arith.addi %add3A_721, %iota3A : vector<16xi32>
      %gather3A = tpu.vector_load_idx %arg4[%add3A_722] : memref<2176xf32, #tpu.memory_space<vmem>>[vector<16xi32>], vector<16xf32>,
      %mul3A_723 = arith.constant 16 : i32
      %mul3A_724 = arith.muli %mul3A_723, %scan3A_716 : i32
      %add3A_725 = arith.constant 384 : i32
      %add3A_726 = arith.addi %add3A_725, %mul3A_724 : i32
      %multiple_of3A = tpu.assume_multiple %add3A_726, 16 : i32
      %swap3A = arith.index_cast %multiple_of3A : i32 to index
      %swap3A_727 = tpu.vector_load %arg5[%swap3A] {strides = array<i32>} : memref<8192xf32, #tpu.memory_space<vmem>>, vector<16xf32>,
      tpu.vector_store %arg5[%swap3A], %gather3A {strides = array<i32>} : memref<8192xf32, #tpu.memory_space<vmem>>, vector<16xf32>,
    }
    %scan3A_53 = arith.constant 16 : i32
    %scan3A_54 = arith.constant 0 : i32
    %scan3A_55 = arith.constant 0 : i32
    %scan3A_56 = arith.constant 24 : i32
    %scan3A_57 = arith.addi %scan3A_55, %scan3A_56 : i32
    %scan3A_58 = arith.constant 1 : i32
    scf.for %scan3A_716 = %scan3A_55 to %scan3A_57 step %scan3A_58  : i32 {
      %mul3A_717 = arith.constant 16 : i32
      %mul3A_718 = arith.muli %mul3A_717, %scan3A_716 : i32
      %add3A_719 = arith.constant 640 : i32
      %add3A_720 = arith.addi %add3A_719, %mul3A_718 : i32
      %multiple_of3A = tpu.assume_multiple %add3A_720, 16 : i32
      %swap3A = arith.index_cast %multiple_of3A : i32 to index
      %swap3A_721 = tpu.vector_load %arg5[%swap3A] {strides = array<i32>} : memref<8192xf32, #tpu.memory_space<vmem>>, vector<16xf32>,
      tpu.vector_store %arg5[%swap3A], %broadcast_in_dim3A_42 {strides = array<i32>} : memref<8192xf32, #tpu.memory_space<vmem>>, vector<16xf32>,
    }
    %scan3A_59 = arith.constant 24 : i32
    %scan3A_60 = arith.constant 0 : i32
    %scan3A_61 = arith.constant 0 : i32
    %scan3A_62 = arith.constant 16 : i32
    %scan3A_63 = arith.addi %scan3A_61, %scan3A_62 : i32
    %scan3A_64 = arith.constant 1 : i32
    scf.for %scan3A_716 = %scan3A_61 to %scan3A_63 step %scan3A_64  : i32 {
      %mul3A_717 = arith.constant 16 : i32
      %mul3A_718 = arith.muli %mul3A_717, %scan3A_716 : i32
      %multiple_of3A = tpu.assume_multiple %mul3A_718, 16 : i32
      %swap3A = arith.constant 0 : i32
      %swap3A_719 = arith.index_cast %swap3A : i32 to index
      %swap3A_720 = arith.index_cast %multiple_of3A : i32 to index
      %swap3A_721 = tpu.vector_load %arg6[%swap3A_719, %swap3A_720] {strides = array<i32>} : memref<8x512xf32, #tpu.memory_space<vmem>>, vector<16xf32>,
      tpu.vector_store %arg6[%swap3A_719, %swap3A_720], %broadcast_in_dim3A {strides = array<i32>} : memref<8x512xf32, #tpu.memory_space<vmem>>, vector<16xf32>,
      %mul3A_722 = arith.constant 16 : i32
      %mul3A_723 = arith.muli %mul3A_722, %scan3A_716 : i32
      %add3A_724 = arith.constant 256 : i32
      %add3A_725 = arith.addi %add3A_724, %mul3A_723 : i32
      %multiple_of3A_726 = tpu.assume_multiple %add3A_725, 16 : i32
      %swap3A_727 = arith.constant 0 : i32
      %swap3A_728 = arith.index_cast %swap3A_727 : i32 to index
      %swap3A_729 = arith.index_cast %multiple_of3A_726 : i32 to index
      %swap3A_730 = tpu.vector_load %arg6[%swap3A_728, %swap3A_729] {strides = array<i32>} : memref<8x512xf32, #tpu.memory_space<vmem>>, vector<16xf32>,
      tpu.vector_store %arg6[%swap3A_728, %swap3A_729], %broadcast_in_dim3A_42 {strides = array<i32>} : memref<8x512xf32, #tpu.memory_space<vmem>>, vector<16xf32>,
    }
    %scan3A_65 = arith.constant 16 : i32
    %get3A_66 = arith.constant 272 : index
    %get3A_67 = tpu.vector_load %arg4[%get3A_66] {strides = array<i32>} : memref<2176xf32, #tpu.memory_space<vmem>>, vector<16xf32>,
    %slice3A_68 = vector.extract_strided_slice %get3A_67 {offsets = [0], sizes = [1], strides = [1]} : vector<16xf32> to vector<1xf32>
    %squeeze3A_69 = vector.extract %slice3A_68[0] : f32 from vector<1xf32>
    %broadcast_in_dim3A_70 = vector.broadcast %squeeze3A_69 : f32 to vector<16xf32>
    %get3A_71 = arith.constant 528 : index
    %get3A_72 = tpu.vector_load %arg4[%get3A_71] {strides = array<i32>} : memref<2176xf32, #tpu.memory_space<vmem>>, vector<16xf32>,
    %slice3A_73 = vector.extract_strided_slice %get3A_72 {offsets = [0], sizes = [1], strides = [1]} : vector<16xf32> to vector<1xf32>
    %squeeze3A_74 = vector.extract %slice3A_73[0] : f32 from vector<1xf32>
    %broadcast_in_dim3A_75 = vector.broadcast %squeeze3A_74 : f32 to vector<16xf32>
    %scan3A_76 = arith.constant 0 : i32
    %scan3A_77 = arith.constant 0 : i32
    %scan3A_78 = arith.constant 24 : i32
    %scan3A_79 = arith.addi %scan3A_77, %scan3A_78 : i32
    %scan3A_80 = arith.constant 1 : i32
    scf.for %scan3A_716 = %scan3A_77 to %scan3A_79 step %scan3A_80  : i32 {
      %mul3A_717 = arith.constant 16 : i32
      %mul3A_718 = arith.muli %mul3A_717, %scan3A_716 : i32
      %add3A_719 = arith.constant 1024 : i32
      %add3A_720 = arith.addi %add3A_719, %mul3A_718 : i32
      %multiple_of3A = tpu.assume_multiple %add3A_720, 16 : i32
      %swap3A = arith.index_cast %multiple_of3A : i32 to index
      %swap3A_721 = tpu.vector_load %arg5[%swap3A] {strides = array<i32>} : memref<8192xf32, #tpu.memory_space<vmem>>, vector<16xf32>,
      tpu.vector_store %arg5[%swap3A], %broadcast_in_dim3A_70 {strides = array<i32>} : memref<8192xf32, #tpu.memory_space<vmem>>, vector<16xf32>,
    }
    %scan3A_81 = arith.constant 24 : i32
    %scan3A_82 = arith.constant 0 : i32
    %scan3A_83 = arith.constant 0 : i32
    %scan3A_84 = arith.constant 16 : i32
    %scan3A_85 = arith.addi %scan3A_83, %scan3A_84 : i32
    %scan3A_86 = arith.constant 1 : i32
    scf.for %scan3A_716 = %scan3A_83 to %scan3A_85 step %scan3A_86  : i32 {
      %mul3A_717 = arith.constant 16 : i32
      %mul3A_718 = arith.muli %mul3A_717, %scan3A_716 : i32
      %add3A_719 = arith.constant 273 : i32
      %add3A_720 = arith.addi %add3A_719, %mul3A_718 : i32
      %add3A_721 = vector.broadcast %add3A_720 : i32 to vector<16xi32>
      %add3A_722 = arith.addi %add3A_721, %iota3A : vector<16xi32>
      %gather3A = tpu.vector_load_idx %arg4[%add3A_722] : memref<2176xf32, #tpu.memory_space<vmem>>[vector<16xi32>], vector<16xf32>,
      %mul3A_723 = arith.constant 16 : i32
      %mul3A_724 = arith.muli %mul3A_723, %scan3A_716 : i32
      %add3A_725 = arith.constant 1408 : i32
      %add3A_726 = arith.addi %add3A_725, %mul3A_724 : i32
      %multiple_of3A = tpu.assume_multiple %add3A_726, 16 : i32
      %swap3A = arith.index_cast %multiple_of3A : i32 to index
      %swap3A_727 = tpu.vector_load %arg5[%swap3A] {strides = array<i32>} : memref<8192xf32, #tpu.memory_space<vmem>>, vector<16xf32>,
      tpu.vector_store %arg5[%swap3A], %gather3A {strides = array<i32>} : memref<8192xf32, #tpu.memory_space<vmem>>, vector<16xf32>,
    }
    %scan3A_87 = arith.constant 16 : i32
    %scan3A_88 = arith.constant 0 : i32
    %scan3A_89 = arith.constant 0 : i32
    %scan3A_90 = arith.constant 24 : i32
    %scan3A_91 = arith.addi %scan3A_89, %scan3A_90 : i32
    %scan3A_92 = arith.constant 1 : i32
    scf.for %scan3A_716 = %scan3A_89 to %scan3A_91 step %scan3A_92  : i32 {
      %mul3A_717 = arith.constant 16 : i32
      %mul3A_718 = arith.muli %mul3A_717, %scan3A_716 : i32
      %add3A_719 = arith.constant 1664 : i32
      %add3A_720 = arith.addi %add3A_719, %mul3A_718 : i32
      %multiple_of3A = tpu.assume_multiple %add3A_720, 16 : i32
      %swap3A = arith.index_cast %multiple_of3A : i32 to index
      %swap3A_721 = tpu.vector_load %arg5[%swap3A] {strides = array<i32>} : memref<8192xf32, #tpu.memory_space<vmem>>, vector<16xf32>,
      tpu.vector_store %arg5[%swap3A], %broadcast_in_dim3A_75 {strides = array<i32>} : memref<8192xf32, #tpu.memory_space<vmem>>, vector<16xf32>,
    }
    %scan3A_93 = arith.constant 24 : i32
    %scan3A_94 = arith.constant 0 : i32
    %scan3A_95 = arith.constant 0 : i32
    %scan3A_96 = arith.constant 16 : i32
    %scan3A_97 = arith.addi %scan3A_95, %scan3A_96 : i32
    %scan3A_98 = arith.constant 1 : i32
    scf.for %scan3A_716 = %scan3A_95 to %scan3A_97 step %scan3A_98  : i32 {
      %mul3A_717 = arith.constant 16 : i32
      %mul3A_718 = arith.muli %mul3A_717, %scan3A_716 : i32
      %multiple_of3A = tpu.assume_multiple %mul3A_718, 16 : i32
      %swap3A = arith.constant 1 : i32
      %swap3A_719 = arith.index_cast %swap3A : i32 to index
      %swap3A_720 = arith.index_cast %multiple_of3A : i32 to index
      %swap3A_721 = tpu.vector_load %arg6[%swap3A_719, %swap3A_720] {strides = array<i32>} : memref<8x512xf32, #tpu.memory_space<vmem>>, vector<16xf32>,
      tpu.vector_store %arg6[%swap3A_719, %swap3A_720], %broadcast_in_dim3A_70 {strides = array<i32>} : memref<8x512xf32, #tpu.memory_space<vmem>>, vector<16xf32>,
      %mul3A_722 = arith.constant 16 : i32
      %mul3A_723 = arith.muli %mul3A_722, %scan3A_716 : i32
      %add3A_724 = arith.constant 256 : i32
      %add3A_725 = arith.addi %add3A_724, %mul3A_723 : i32
      %multiple_of3A_726 = tpu.assume_multiple %add3A_725, 16 : i32
      %swap3A_727 = arith.constant 1 : i32
      %swap3A_728 = arith.index_cast %swap3A_727 : i32 to index
      %swap3A_729 = arith.index_cast %multiple_of3A_726 : i32 to index
      %swap3A_730 = tpu.vector_load %arg6[%swap3A_728, %swap3A_729] {strides = array<i32>} : memref<8x512xf32, #tpu.memory_space<vmem>>, vector<16xf32>,
      tpu.vector_store %arg6[%swap3A_728, %swap3A_729], %broadcast_in_dim3A_75 {strides = array<i32>} : memref<8x512xf32, #tpu.memory_space<vmem>>, vector<16xf32>,
    }
    %scan3A_99 = arith.constant 16 : i32
    %get3A_100 = arith.constant 544 : index
    %get3A_101 = tpu.vector_load %arg4[%get3A_100] {strides = array<i32>} : memref<2176xf32, #tpu.memory_space<vmem>>, vector<16xf32>,
    %slice3A_102 = vector.extract_strided_slice %get3A_101 {offsets = [0], sizes = [1], strides = [1]} : vector<16xf32> to vector<1xf32>
    %squeeze3A_103 = vector.extract %slice3A_102[0] : f32 from vector<1xf32>
    %broadcast_in_dim3A_104 = vector.broadcast %squeeze3A_103 : f32 to vector<16xf32>
    %get3A_105 = arith.constant 800 : index
    %get3A_106 = tpu.vector_load %arg4[%get3A_105] {strides = array<i32>} : memref<2176xf32, #tpu.memory_space<vmem>>, vector<16xf32>,
    %slice3A_107 = vector.extract_strided_slice %get3A_106 {offsets = [0], sizes = [1], strides = [1]} : vector<16xf32> to vector<1xf32>
    %squeeze3A_108 = vector.extract %slice3A_107[0] : f32 from vector<1xf32>
    %broadcast_in_dim3A_109 = vector.broadcast %squeeze3A_108 : f32 to vector<16xf32>
    %scan3A_110 = arith.constant 0 : i32
    %scan3A_111 = arith.constant 0 : i32
    %scan3A_112 = arith.constant 24 : i32
    %scan3A_113 = arith.addi %scan3A_111, %scan3A_112 : i32
    %scan3A_114 = arith.constant 1 : i32
    scf.for %scan3A_716 = %scan3A_111 to %scan3A_113 step %scan3A_114  : i32 {
      %mul3A_717 = arith.constant 16 : i32
      %mul3A_718 = arith.muli %mul3A_717, %scan3A_716 : i32
      %add3A_719 = arith.constant 2048 : i32
      %add3A_720 = arith.addi %add3A_719, %mul3A_718 : i32
      %multiple_of3A = tpu.assume_multiple %add3A_720, 16 : i32
      %swap3A = arith.index_cast %multiple_of3A : i32 to index
      %swap3A_721 = tpu.vector_load %arg5[%swap3A] {strides = array<i32>} : memref<8192xf32, #tpu.memory_space<vmem>>, vector<16xf32>,
      tpu.vector_store %arg5[%swap3A], %broadcast_in_dim3A_104 {strides = array<i32>} : memref<8192xf32, #tpu.memory_space<vmem>>, vector<16xf32>,
    }
    %scan3A_115 = arith.constant 24 : i32
    %scan3A_116 = arith.constant 0 : i32
    %scan3A_117 = arith.constant 0 : i32
    %scan3A_118 = arith.constant 16 : i32
    %scan3A_119 = arith.addi %scan3A_117, %scan3A_118 : i32
    %scan3A_120 = arith.constant 1 : i32
    scf.for %scan3A_716 = %scan3A_117 to %scan3A_119 step %scan3A_120  : i32 {
      %mul3A_717 = arith.constant 16 : i32
      %mul3A_718 = arith.muli %mul3A_717, %scan3A_716 : i32
      %add3A_719 = arith.constant 545 : i32
      %add3A_720 = arith.addi %add3A_719, %mul3A_718 : i32
      %add3A_721 = vector.broadcast %add3A_720 : i32 to vector<16xi32>
      %add3A_722 = arith.addi %add3A_721, %iota3A : vector<16xi32>
      %gather3A = tpu.vector_load_idx %arg4[%add3A_722] : memref<2176xf32, #tpu.memory_space<vmem>>[vector<16xi32>], vector<16xf32>,
      %mul3A_723 = arith.constant 16 : i32
      %mul3A_724 = arith.muli %mul3A_723, %scan3A_716 : i32
      %add3A_725 = arith.constant 2432 : i32
      %add3A_726 = arith.addi %add3A_725, %mul3A_724 : i32
      %multiple_of3A = tpu.assume_multiple %add3A_726, 16 : i32
      %swap3A = arith.index_cast %multiple_of3A : i32 to index
      %swap3A_727 = tpu.vector_load %arg5[%swap3A] {strides = array<i32>} : memref<8192xf32, #tpu.memory_space<vmem>>, vector<16xf32>,
      tpu.vector_store %arg5[%swap3A], %gather3A {strides = array<i32>} : memref<8192xf32, #tpu.memory_space<vmem>>, vector<16xf32>,
    }
    %scan3A_121 = arith.constant 16 : i32
    %scan3A_122 = arith.constant 0 : i32
    %scan3A_123 = arith.constant 0 : i32
    %scan3A_124 = arith.constant 24 : i32
    %scan3A_125 = arith.addi %scan3A_123, %scan3A_124 : i32
    %scan3A_126 = arith.constant 1 : i32
    scf.for %scan3A_716 = %scan3A_123 to %scan3A_125 step %scan3A_126  : i32 {
      %mul3A_717 = arith.constant 16 : i32
      %mul3A_718 = arith.muli %mul3A_717, %scan3A_716 : i32
      %add3A_719 = arith.constant 2688 : i32
      %add3A_720 = arith.addi %add3A_719, %mul3A_718 : i32
      %multiple_of3A = tpu.assume_multiple %add3A_720, 16 : i32
      %swap3A = arith.index_cast %multiple_of3A : i32 to index
      %swap3A_721 = tpu.vector_load %arg5[%swap3A] {strides = array<i32>} : memref<8192xf32, #tpu.memory_space<vmem>>, vector<16xf32>,
      tpu.vector_store %arg5[%swap3A], %broadcast_in_dim3A_109 {strides = array<i32>} : memref<8192xf32, #tpu.memory_space<vmem>>, vector<16xf32>,
    }
    %scan3A_127 = arith.constant 24 : i32
    %scan3A_128 = arith.constant 0 : i32
    %scan3A_129 = arith.constant 0 : i32
    %scan3A_130 = arith.constant 16 : i32
    %scan3A_131 = arith.addi %scan3A_129, %scan3A_130 : i32
    %scan3A_132 = arith.constant 1 : i32
    scf.for %scan3A_716 = %scan3A_129 to %scan3A_131 step %scan3A_132  : i32 {
      %mul3A_717 = arith.constant 16 : i32
      %mul3A_718 = arith.muli %mul3A_717, %scan3A_716 : i32
      %multiple_of3A = tpu.assume_multiple %mul3A_718, 16 : i32
      %swap3A = arith.constant 2 : i32
      %swap3A_719 = arith.index_cast %swap3A : i32 to index
      %swap3A_720 = arith.index_cast %multiple_of3A : i32 to index
      %swap3A_721 = tpu.vector_load %arg6[%swap3A_719, %swap3A_720] {strides = array<i32>} : memref<8x512xf32, #tpu.memory_space<vmem>>, vector<16xf32>,
      tpu.vector_store %arg6[%swap3A_719, %swap3A_720], %broadcast_in_dim3A_104 {strides = array<i32>} : memref<8x512xf32, #tpu.memory_space<vmem>>, vector<16xf32>,
      %mul3A_722 = arith.constant 16 : i32
      %mul3A_723 = arith.muli %mul3A_722, %scan3A_716 : i32
      %add3A_724 = arith.constant 256 : i32
      %add3A_725 = arith.addi %add3A_724, %mul3A_723 : i32
      %multiple_of3A_726 = tpu.assume_multiple %add3A_725, 16 : i32
      %swap3A_727 = arith.constant 2 : i32
      %swap3A_728 = arith.index_cast %swap3A_727 : i32 to index
      %swap3A_729 = arith.index_cast %multiple_of3A_726 : i32 to index
      %swap3A_730 = tpu.vector_load %arg6[%swap3A_728, %swap3A_729] {strides = array<i32>} : memref<8x512xf32, #tpu.memory_space<vmem>>, vector<16xf32>,
      tpu.vector_store %arg6[%swap3A_728, %swap3A_729], %broadcast_in_dim3A_109 {strides = array<i32>} : memref<8x512xf32, #tpu.memory_space<vmem>>, vector<16xf32>,
    }
    %scan3A_133 = arith.constant 16 : i32
    %get3A_134 = arith.constant 816 : index
    %get3A_135 = tpu.vector_load %arg4[%get3A_134] {strides = array<i32>} : memref<2176xf32, #tpu.memory_space<vmem>>, vector<16xf32>,
    %slice3A_136 = vector.extract_strided_slice %get3A_135 {offsets = [0], sizes = [1], strides = [1]} : vector<16xf32> to vector<1xf32>
    %squeeze3A_137 = vector.extract %slice3A_136[0] : f32 from vector<1xf32>
    %broadcast_in_dim3A_138 = vector.broadcast %squeeze3A_137 : f32 to vector<16xf32>
    %get3A_139 = arith.constant 1072 : index
    %get3A_140 = tpu.vector_load %arg4[%get3A_139] {strides = array<i32>} : memref<2176xf32, #tpu.memory_space<vmem>>, vector<16xf32>,
    %slice3A_141 = vector.extract_strided_slice %get3A_140 {offsets = [0], sizes = [1], strides = [1]} : vector<16xf32> to vector<1xf32>
    %squeeze3A_142 = vector.extract %slice3A_141[0] : f32 from vector<1xf32>
    %broadcast_in_dim3A_143 = vector.broadcast %squeeze3A_142 : f32 to vector<16xf32>
    %scan3A_144 = arith.constant 0 : i32
    %scan3A_145 = arith.constant 0 : i32
    %scan3A_146 = arith.constant 24 : i32
    %scan3A_147 = arith.addi %scan3A_145, %scan3A_146 : i32
    %scan3A_148 = arith.constant 1 : i32
    scf.for %scan3A_716 = %scan3A_145 to %scan3A_147 step %scan3A_148  : i32 {
      %mul3A_717 = arith.constant 16 : i32
      %mul3A_718 = arith.muli %mul3A_717, %scan3A_716 : i32
      %add3A_719 = arith.constant 3072 : i32
      %add3A_720 = arith.addi %add3A_719, %mul3A_718 : i32
      %multiple_of3A = tpu.assume_multiple %add3A_720, 16 : i32
      %swap3A = arith.index_cast %multiple_of3A : i32 to index
      %swap3A_721 = tpu.vector_load %arg5[%swap3A] {strides = array<i32>} : memref<8192xf32, #tpu.memory_space<vmem>>, vector<16xf32>,
      tpu.vector_store %arg5[%swap3A], %broadcast_in_dim3A_138 {strides = array<i32>} : memref<8192xf32, #tpu.memory_space<vmem>>, vector<16xf32>,
    }
    %scan3A_149 = arith.constant 24 : i32
    %scan3A_150 = arith.constant 0 : i32
    %scan3A_151 = arith.constant 0 : i32
    %scan3A_152 = arith.constant 16 : i32
    %scan3A_153 = arith.addi %scan3A_151, %scan3A_152 : i32
    %scan3A_154 = arith.constant 1 : i32
    scf.for %scan3A_716 = %scan3A_151 to %scan3A_153 step %scan3A_154  : i32 {
      %mul3A_717 = arith.constant 16 : i32
      %mul3A_718 = arith.muli %mul3A_717, %scan3A_716 : i32
      %add3A_719 = arith.constant 817 : i32
      %add3A_720 = arith.addi %add3A_719, %mul3A_718 : i32
      %add3A_721 = vector.broadcast %add3A_720 : i32 to vector<16xi32>
      %add3A_722 = arith.addi %add3A_721, %iota3A : vector<16xi32>
      %gather3A = tpu.vector_load_idx %arg4[%add3A_722] : memref<2176xf32, #tpu.memory_space<vmem>>[vector<16xi32>], vector<16xf32>,
      %mul3A_723 = arith.constant 16 : i32
      %mul3A_724 = arith.muli %mul3A_723, %scan3A_716 : i32
      %add3A_725 = arith.constant 3456 : i32
      %add3A_726 = arith.addi %add3A_725, %mul3A_724 : i32
      %multiple_of3A = tpu.assume_multiple %add3A_726, 16 : i32
      %swap3A = arith.index_cast %multiple_of3A : i32 to index
      %swap3A_727 = tpu.vector_load %arg5[%swap3A] {strides = array<i32>} : memref<8192xf32, #tpu.memory_space<vmem>>, vector<16xf32>,
      tpu.vector_store %arg5[%swap3A], %gather3A {strides = array<i32>} : memref<8192xf32, #tpu.memory_space<vmem>>, vector<16xf32>,
    }
    %scan3A_155 = arith.constant 16 : i32
    %scan3A_156 = arith.constant 0 : i32
    %scan3A_157 = arith.constant 0 : i32
    %scan3A_158 = arith.constant 24 : i32
    %scan3A_159 = arith.addi %scan3A_157, %scan3A_158 : i32
    %scan3A_160 = arith.constant 1 : i32
    scf.for %scan3A_716 = %scan3A_157 to %scan3A_159 step %scan3A_160  : i32 {
      %mul3A_717 = arith.constant 16 : i32
      %mul3A_718 = arith.muli %mul3A_717, %scan3A_716 : i32
      %add3A_719 = arith.constant 3712 : i32
      %add3A_720 = arith.addi %add3A_719, %mul3A_718 : i32
      %multiple_of3A = tpu.assume_multiple %add3A_720, 16 : i32
      %swap3A = arith.index_cast %multiple_of3A : i32 to index
      %swap3A_721 = tpu.vector_load %arg5[%swap3A] {strides = array<i32>} : memref<8192xf32, #tpu.memory_space<vmem>>, vector<16xf32>,
      tpu.vector_store %arg5[%swap3A], %broadcast_in_dim3A_143 {strides = array<i32>} : memref<8192xf32, #tpu.memory_space<vmem>>, vector<16xf32>,
    }
    %scan3A_161 = arith.constant 24 : i32
    %scan3A_162 = arith.constant 0 : i32
    %scan3A_163 = arith.constant 0 : i32
    %scan3A_164 = arith.constant 16 : i32
    %scan3A_165 = arith.addi %scan3A_163, %scan3A_164 : i32
    %scan3A_166 = arith.constant 1 : i32
    scf.for %scan3A_716 = %scan3A_163 to %scan3A_165 step %scan3A_166  : i32 {
      %mul3A_717 = arith.constant 16 : i32
      %mul3A_718 = arith.muli %mul3A_717, %scan3A_716 : i32
      %multiple_of3A = tpu.assume_multiple %mul3A_718, 16 : i32
      %swap3A = arith.constant 3 : i32
      %swap3A_719 = arith.index_cast %swap3A : i32 to index
      %swap3A_720 = arith.index_cast %multiple_of3A : i32 to index
      %swap3A_721 = tpu.vector_load %arg6[%swap3A_719, %swap3A_720] {strides = array<i32>} : memref<8x512xf32, #tpu.memory_space<vmem>>, vector<16xf32>,
      tpu.vector_store %arg6[%swap3A_719, %swap3A_720], %broadcast_in_dim3A_138 {strides = array<i32>} : memref<8x512xf32, #tpu.memory_space<vmem>>, vector<16xf32>,
      %mul3A_722 = arith.constant 16 : i32
      %mul3A_723 = arith.muli %mul3A_722, %scan3A_716 : i32
      %add3A_724 = arith.constant 256 : i32
      %add3A_725 = arith.addi %add3A_724, %mul3A_723 : i32
      %multiple_of3A_726 = tpu.assume_multiple %add3A_725, 16 : i32
      %swap3A_727 = arith.constant 3 : i32
      %swap3A_728 = arith.index_cast %swap3A_727 : i32 to index
      %swap3A_729 = arith.index_cast %multiple_of3A_726 : i32 to index
      %swap3A_730 = tpu.vector_load %arg6[%swap3A_728, %swap3A_729] {strides = array<i32>} : memref<8x512xf32, #tpu.memory_space<vmem>>, vector<16xf32>,
      tpu.vector_store %arg6[%swap3A_728, %swap3A_729], %broadcast_in_dim3A_143 {strides = array<i32>} : memref<8x512xf32, #tpu.memory_space<vmem>>, vector<16xf32>,
    }
    %scan3A_167 = arith.constant 16 : i32
    %get3A_168 = arith.constant 1088 : index
    %get3A_169 = tpu.vector_load %arg4[%get3A_168] {strides = array<i32>} : memref<2176xf32, #tpu.memory_space<vmem>>, vector<16xf32>,
    %slice3A_170 = vector.extract_strided_slice %get3A_169 {offsets = [0], sizes = [1], strides = [1]} : vector<16xf32> to vector<1xf32>
    %squeeze3A_171 = vector.extract %slice3A_170[0] : f32 from vector<1xf32>
    %broadcast_in_dim3A_172 = vector.broadcast %squeeze3A_171 : f32 to vector<16xf32>
    %get3A_173 = arith.constant 1344 : index
    %get3A_174 = tpu.vector_load %arg4[%get3A_173] {strides = array<i32>} : memref<2176xf32, #tpu.memory_space<vmem>>, vector<16xf32>,
    %slice3A_175 = vector.extract_strided_slice %get3A_174 {offsets = [0], sizes = [1], strides = [1]} : vector<16xf32> to vector<1xf32>
    %squeeze3A_176 = vector.extract %slice3A_175[0] : f32 from vector<1xf32>
    %broadcast_in_dim3A_177 = vector.broadcast %squeeze3A_176 : f32 to vector<16xf32>
    %scan3A_178 = arith.constant 0 : i32
    %scan3A_179 = arith.constant 0 : i32
    %scan3A_180 = arith.constant 24 : i32
    %scan3A_181 = arith.addi %scan3A_179, %scan3A_180 : i32
    %scan3A_182 = arith.constant 1 : i32
    scf.for %scan3A_716 = %scan3A_179 to %scan3A_181 step %scan3A_182  : i32 {
      %mul3A_717 = arith.constant 16 : i32
      %mul3A_718 = arith.muli %mul3A_717, %scan3A_716 : i32
      %add3A_719 = arith.constant 4096 : i32
      %add3A_720 = arith.addi %add3A_719, %mul3A_718 : i32
      %multiple_of3A = tpu.assume_multiple %add3A_720, 16 : i32
      %swap3A = arith.index_cast %multiple_of3A : i32 to index
      %swap3A_721 = tpu.vector_load %arg5[%swap3A] {strides = array<i32>} : memref<8192xf32, #tpu.memory_space<vmem>>, vector<16xf32>,
      tpu.vector_store %arg5[%swap3A], %broadcast_in_dim3A_172 {strides = array<i32>} : memref<8192xf32, #tpu.memory_space<vmem>>, vector<16xf32>,
    }
    %scan3A_183 = arith.constant 24 : i32
    %scan3A_184 = arith.constant 0 : i32
    %scan3A_185 = arith.constant 0 : i32
    %scan3A_186 = arith.constant 16 : i32
    %scan3A_187 = arith.addi %scan3A_185, %scan3A_186 : i32
    %scan3A_188 = arith.constant 1 : i32
    scf.for %scan3A_716 = %scan3A_185 to %scan3A_187 step %scan3A_188  : i32 {
      %mul3A_717 = arith.constant 16 : i32
      %mul3A_718 = arith.muli %mul3A_717, %scan3A_716 : i32
      %add3A_719 = arith.constant 1089 : i32
      %add3A_720 = arith.addi %add3A_719, %mul3A_718 : i32
      %add3A_721 = vector.broadcast %add3A_720 : i32 to vector<16xi32>
      %add3A_722 = arith.addi %add3A_721, %iota3A : vector<16xi32>
      %gather3A = tpu.vector_load_idx %arg4[%add3A_722] : memref<2176xf32, #tpu.memory_space<vmem>>[vector<16xi32>], vector<16xf32>,
      %mul3A_723 = arith.constant 16 : i32
      %mul3A_724 = arith.muli %mul3A_723, %scan3A_716 : i32
      %add3A_725 = arith.constant 4480 : i32
      %add3A_726 = arith.addi %add3A_725, %mul3A_724 : i32
      %multiple_of3A = tpu.assume_multiple %add3A_726, 16 : i32
      %swap3A = arith.index_cast %multiple_of3A : i32 to index
      %swap3A_727 = tpu.vector_load %arg5[%swap3A] {strides = array<i32>} : memref<8192xf32, #tpu.memory_space<vmem>>, vector<16xf32>,
      tpu.vector_store %arg5[%swap3A], %gather3A {strides = array<i32>} : memref<8192xf32, #tpu.memory_space<vmem>>, vector<16xf32>,
    }
    %scan3A_189 = arith.constant 16 : i32
    %scan3A_190 = arith.constant 0 : i32
    %scan3A_191 = arith.constant 0 : i32
    %scan3A_192 = arith.constant 24 : i32
    %scan3A_193 = arith.addi %scan3A_191, %scan3A_192 : i32
    %scan3A_194 = arith.constant 1 : i32
    scf.for %scan3A_716 = %scan3A_191 to %scan3A_193 step %scan3A_194  : i32 {
      %mul3A_717 = arith.constant 16 : i32
      %mul3A_718 = arith.muli %mul3A_717, %scan3A_716 : i32
      %add3A_719 = arith.constant 4736 : i32
      %add3A_720 = arith.addi %add3A_719, %mul3A_718 : i32
      %multiple_of3A = tpu.assume_multiple %add3A_720, 16 : i32
      %swap3A = arith.index_cast %multiple_of3A : i32 to index
      %swap3A_721 = tpu.vector_load %arg5[%swap3A] {strides = array<i32>} : memref<8192xf32, #tpu.memory_space<vmem>>, vector<16xf32>,
      tpu.vector_store %arg5[%swap3A], %broadcast_in_dim3A_177 {strides = array<i32>} : memref<8192xf32, #tpu.memory_space<vmem>>, vector<16xf32>,
    }
    %scan3A_195 = arith.constant 24 : i32
    %scan3A_196 = arith.constant 0 : i32
    %scan3A_197 = arith.constant 0 : i32
    %scan3A_198 = arith.constant 16 : i32
    %scan3A_199 = arith.addi %scan3A_197, %scan3A_198 : i32
    %scan3A_200 = arith.constant 1 : i32
    scf.for %scan3A_716 = %scan3A_197 to %scan3A_199 step %scan3A_200  : i32 {
      %mul3A_717 = arith.constant 16 : i32
      %mul3A_718 = arith.muli %mul3A_717, %scan3A_716 : i32
      %multiple_of3A = tpu.assume_multiple %mul3A_718, 16 : i32
      %swap3A = arith.constant 4 : i32
      %swap3A_719 = arith.index_cast %swap3A : i32 to index
      %swap3A_720 = arith.index_cast %multiple_of3A : i32 to index
      %swap3A_721 = tpu.vector_load %arg6[%swap3A_719, %swap3A_720] {strides = array<i32>} : memref<8x512xf32, #tpu.memory_space<vmem>>, vector<16xf32>,
      tpu.vector_store %arg6[%swap3A_719, %swap3A_720], %broadcast_in_dim3A_172 {strides = array<i32>} : memref<8x512xf32, #tpu.memory_space<vmem>>, vector<16xf32>,
      %mul3A_722 = arith.constant 16 : i32
      %mul3A_723 = arith.muli %mul3A_722, %scan3A_716 : i32
      %add3A_724 = arith.constant 256 : i32
      %add3A_725 = arith.addi %add3A_724, %mul3A_723 : i32
      %multiple_of3A_726 = tpu.assume_multiple %add3A_725, 16 : i32
      %swap3A_727 = arith.constant 4 : i32
      %swap3A_728 = arith.index_cast %swap3A_727 : i32 to index
      %swap3A_729 = arith.index_cast %multiple_of3A_726 : i32 to index
      %swap3A_730 = tpu.vector_load %arg6[%swap3A_728, %swap3A_729] {strides = array<i32>} : memref<8x512xf32, #tpu.memory_space<vmem>>, vector<16xf32>,
      tpu.vector_store %arg6[%swap3A_728, %swap3A_729], %broadcast_in_dim3A_177 {strides = array<i32>} : memref<8x512xf32, #tpu.memory_space<vmem>>, vector<16xf32>,
    }
    %scan3A_201 = arith.constant 16 : i32
    %get3A_202 = arith.constant 1360 : index
    %get3A_203 = tpu.vector_load %arg4[%get3A_202] {strides = array<i32>} : memref<2176xf32, #tpu.memory_space<vmem>>, vector<16xf32>,
    %slice3A_204 = vector.extract_strided_slice %get3A_203 {offsets = [0], sizes = [1], strides = [1]} : vector<16xf32> to vector<1xf32>
    %squeeze3A_205 = vector.extract %slice3A_204[0] : f32 from vector<1xf32>
    %broadcast_in_dim3A_206 = vector.broadcast %squeeze3A_205 : f32 to vector<16xf32>
    %get3A_207 = arith.constant 1616 : index
    %get3A_208 = tpu.vector_load %arg4[%get3A_207] {strides = array<i32>} : memref<2176xf32, #tpu.memory_space<vmem>>, vector<16xf32>,
    %slice3A_209 = vector.extract_strided_slice %get3A_208 {offsets = [0], sizes = [1], strides = [1]} : vector<16xf32> to vector<1xf32>
    %squeeze3A_210 = vector.extract %slice3A_209[0] : f32 from vector<1xf32>
    %broadcast_in_dim3A_211 = vector.broadcast %squeeze3A_210 : f32 to vector<16xf32>
    %scan3A_212 = arith.constant 0 : i32
    %scan3A_213 = arith.constant 0 : i32
    %scan3A_214 = arith.constant 24 : i32
    %scan3A_215 = arith.addi %scan3A_213, %scan3A_214 : i32
    %scan3A_216 = arith.constant 1 : i32
    scf.for %scan3A_716 = %scan3A_213 to %scan3A_215 step %scan3A_216  : i32 {
      %mul3A_717 = arith.constant 16 : i32
      %mul3A_718 = arith.muli %mul3A_717, %scan3A_716 : i32
      %add3A_719 = arith.constant 5120 : i32
      %add3A_720 = arith.addi %add3A_719, %mul3A_718 : i32
      %multiple_of3A = tpu.assume_multiple %add3A_720, 16 : i32
      %swap3A = arith.index_cast %multiple_of3A : i32 to index
      %swap3A_721 = tpu.vector_load %arg5[%swap3A] {strides = array<i32>} : memref<8192xf32, #tpu.memory_space<vmem>>, vector<16xf32>,
      tpu.vector_store %arg5[%swap3A], %broadcast_in_dim3A_206 {strides = array<i32>} : memref<8192xf32, #tpu.memory_space<vmem>>, vector<16xf32>,
    }
    %scan3A_217 = arith.constant 24 : i32
    %scan3A_218 = arith.constant 0 : i32
    %scan3A_219 = arith.constant 0 : i32
    %scan3A_220 = arith.constant 16 : i32
    %scan3A_221 = arith.addi %scan3A_219, %scan3A_220 : i32
    %scan3A_222 = arith.constant 1 : i32
    scf.for %scan3A_716 = %scan3A_219 to %scan3A_221 step %scan3A_222  : i32 {
      %mul3A_717 = arith.constant 16 : i32
      %mul3A_718 = arith.muli %mul3A_717, %scan3A_716 : i32
      %add3A_719 = arith.constant 1361 : i32
      %add3A_720 = arith.addi %add3A_719, %mul3A_718 : i32
      %add3A_721 = vector.broadcast %add3A_720 : i32 to vector<16xi32>
      %add3A_722 = arith.addi %add3A_721, %iota3A : vector<16xi32>
      %gather3A = tpu.vector_load_idx %arg4[%add3A_722] : memref<2176xf32, #tpu.memory_space<vmem>>[vector<16xi32>], vector<16xf32>,
      %mul3A_723 = arith.constant 16 : i32
      %mul3A_724 = arith.muli %mul3A_723, %scan3A_716 : i32
      %add3A_725 = arith.constant 5504 : i32
      %add3A_726 = arith.addi %add3A_725, %mul3A_724 : i32
      %multiple_of3A = tpu.assume_multiple %add3A_726, 16 : i32
      %swap3A = arith.index_cast %multiple_of3A : i32 to index
      %swap3A_727 = tpu.vector_load %arg5[%swap3A] {strides = array<i32>} : memref<8192xf32, #tpu.memory_space<vmem>>, vector<16xf32>,
      tpu.vector_store %arg5[%swap3A], %gather3A {strides = array<i32>} : memref<8192xf32, #tpu.memory_space<vmem>>, vector<16xf32>,
    }
    %scan3A_223 = arith.constant 16 : i32
    %scan3A_224 = arith.constant 0 : i32
    %scan3A_225 = arith.constant 0 : i32
    %scan3A_226 = arith.constant 24 : i32
    %scan3A_227 = arith.addi %scan3A_225, %scan3A_226 : i32
    %scan3A_228 = arith.constant 1 : i32
    scf.for %scan3A_716 = %scan3A_225 to %scan3A_227 step %scan3A_228  : i32 {
      %mul3A_717 = arith.constant 16 : i32
      %mul3A_718 = arith.muli %mul3A_717, %scan3A_716 : i32
      %add3A_719 = arith.constant 5760 : i32
      %add3A_720 = arith.addi %add3A_719, %mul3A_718 : i32
      %multiple_of3A = tpu.assume_multiple %add3A_720, 16 : i32
      %swap3A = arith.index_cast %multiple_of3A : i32 to index
      %swap3A_721 = tpu.vector_load %arg5[%swap3A] {strides = array<i32>} : memref<8192xf32, #tpu.memory_space<vmem>>, vector<16xf32>,
      tpu.vector_store %arg5[%swap3A], %broadcast_in_dim3A_211 {strides = array<i32>} : memref<8192xf32, #tpu.memory_space<vmem>>, vector<16xf32>,
    }
    %scan3A_229 = arith.constant 24 : i32
    %scan3A_230 = arith.constant 0 : i32
    %scan3A_231 = arith.constant 0 : i32
    %scan3A_232 = arith.constant 16 : i32
    %scan3A_233 = arith.addi %scan3A_231, %scan3A_232 : i32
    %scan3A_234 = arith.constant 1 : i32
    scf.for %scan3A_716 = %scan3A_231 to %scan3A_233 step %scan3A_234  : i32 {
      %mul3A_717 = arith.constant 16 : i32
      %mul3A_718 = arith.muli %mul3A_717, %scan3A_716 : i32
      %multiple_of3A = tpu.assume_multiple %mul3A_718, 16 : i32
      %swap3A = arith.constant 5 : i32
      %swap3A_719 = arith.index_cast %swap3A : i32 to index
      %swap3A_720 = arith.index_cast %multiple_of3A : i32 to index
      %swap3A_721 = tpu.vector_load %arg6[%swap3A_719, %swap3A_720] {strides = array<i32>} : memref<8x512xf32, #tpu.memory_space<vmem>>, vector<16xf32>,
      tpu.vector_store %arg6[%swap3A_719, %swap3A_720], %broadcast_in_dim3A_206 {strides = array<i32>} : memref<8x512xf32, #tpu.memory_space<vmem>>, vector<16xf32>,
      %mul3A_722 = arith.constant 16 : i32
      %mul3A_723 = arith.muli %mul3A_722, %scan3A_716 : i32
      %add3A_724 = arith.constant 256 : i32
      %add3A_725 = arith.addi %add3A_724, %mul3A_723 : i32
      %multiple_of3A_726 = tpu.assume_multiple %add3A_725, 16 : i32
      %swap3A_727 = arith.constant 5 : i32
      %swap3A_728 = arith.index_cast %swap3A_727 : i32 to index
      %swap3A_729 = arith.index_cast %multiple_of3A_726 : i32 to index
      %swap3A_730 = tpu.vector_load %arg6[%swap3A_728, %swap3A_729] {strides = array<i32>} : memref<8x512xf32, #tpu.memory_space<vmem>>, vector<16xf32>,
      tpu.vector_store %arg6[%swap3A_728, %swap3A_729], %broadcast_in_dim3A_211 {strides = array<i32>} : memref<8x512xf32, #tpu.memory_space<vmem>>, vector<16xf32>,
    }
    %scan3A_235 = arith.constant 16 : i32
    %get3A_236 = arith.constant 1632 : index
    %get3A_237 = tpu.vector_load %arg4[%get3A_236] {strides = array<i32>} : memref<2176xf32, #tpu.memory_space<vmem>>, vector<16xf32>,
    %slice3A_238 = vector.extract_strided_slice %get3A_237 {offsets = [0], sizes = [1], strides = [1]} : vector<16xf32> to vector<1xf32>
    %squeeze3A_239 = vector.extract %slice3A_238[0] : f32 from vector<1xf32>
    %broadcast_in_dim3A_240 = vector.broadcast %squeeze3A_239 : f32 to vector<16xf32>
    %get3A_241 = arith.constant 1888 : index
    %get3A_242 = tpu.vector_load %arg4[%get3A_241] {strides = array<i32>} : memref<2176xf32, #tpu.memory_space<vmem>>, vector<16xf32>,
    %slice3A_243 = vector.extract_strided_slice %get3A_242 {offsets = [0], sizes = [1], strides = [1]} : vector<16xf32> to vector<1xf32>
    %squeeze3A_244 = vector.extract %slice3A_243[0] : f32 from vector<1xf32>
    %broadcast_in_dim3A_245 = vector.broadcast %squeeze3A_244 : f32 to vector<16xf32>
    %scan3A_246 = arith.constant 0 : i32
    %scan3A_247 = arith.constant 0 : i32
    %scan3A_248 = arith.constant 24 : i32
    %scan3A_249 = arith.addi %scan3A_247, %scan3A_248 : i32
    %scan3A_250 = arith.constant 1 : i32
    scf.for %scan3A_716 = %scan3A_247 to %scan3A_249 step %scan3A_250  : i32 {
      %mul3A_717 = arith.constant 16 : i32
      %mul3A_718 = arith.muli %mul3A_717, %scan3A_716 : i32
      %add3A_719 = arith.constant 6144 : i32
      %add3A_720 = arith.addi %add3A_719, %mul3A_718 : i32
      %multiple_of3A = tpu.assume_multiple %add3A_720, 16 : i32
      %swap3A = arith.index_cast %multiple_of3A : i32 to index
      %swap3A_721 = tpu.vector_load %arg5[%swap3A] {strides = array<i32>} : memref<8192xf32, #tpu.memory_space<vmem>>, vector<16xf32>,
      tpu.vector_store %arg5[%swap3A], %broadcast_in_dim3A_240 {strides = array<i32>} : memref<8192xf32, #tpu.memory_space<vmem>>, vector<16xf32>,
    }
    %scan3A_251 = arith.constant 24 : i32
    %scan3A_252 = arith.constant 0 : i32
    %scan3A_253 = arith.constant 0 : i32
    %scan3A_254 = arith.constant 16 : i32
    %scan3A_255 = arith.addi %scan3A_253, %scan3A_254 : i32
    %scan3A_256 = arith.constant 1 : i32
    scf.for %scan3A_716 = %scan3A_253 to %scan3A_255 step %scan3A_256  : i32 {
      %mul3A_717 = arith.constant 16 : i32
      %mul3A_718 = arith.muli %mul3A_717, %scan3A_716 : i32
      %add3A_719 = arith.constant 1633 : i32
      %add3A_720 = arith.addi %add3A_719, %mul3A_718 : i32
      %add3A_721 = vector.broadcast %add3A_720 : i32 to vector<16xi32>
      %add3A_722 = arith.addi %add3A_721, %iota3A : vector<16xi32>
      %gather3A = tpu.vector_load_idx %arg4[%add3A_722] : memref<2176xf32, #tpu.memory_space<vmem>>[vector<16xi32>], vector<16xf32>,
      %mul3A_723 = arith.constant 16 : i32
      %mul3A_724 = arith.muli %mul3A_723, %scan3A_716 : i32
      %add3A_725 = arith.constant 6528 : i32
      %add3A_726 = arith.addi %add3A_725, %mul3A_724 : i32
      %multiple_of3A = tpu.assume_multiple %add3A_726, 16 : i32
      %swap3A = arith.index_cast %multiple_of3A : i32 to index
      %swap3A_727 = tpu.vector_load %arg5[%swap3A] {strides = array<i32>} : memref<8192xf32, #tpu.memory_space<vmem>>, vector<16xf32>,
      tpu.vector_store %arg5[%swap3A], %gather3A {strides = array<i32>} : memref<8192xf32, #tpu.memory_space<vmem>>, vector<16xf32>,
    }
    %scan3A_257 = arith.constant 16 : i32
    %scan3A_258 = arith.constant 0 : i32
    %scan3A_259 = arith.constant 0 : i32
    %scan3A_260 = arith.constant 24 : i32
    %scan3A_261 = arith.addi %scan3A_259, %scan3A_260 : i32
    %scan3A_262 = arith.constant 1 : i32
    scf.for %scan3A_716 = %scan3A_259 to %scan3A_261 step %scan3A_262  : i32 {
      %mul3A_717 = arith.constant 16 : i32
      %mul3A_718 = arith.muli %mul3A_717, %scan3A_716 : i32
      %add3A_719 = arith.constant 6784 : i32
      %add3A_720 = arith.addi %add3A_719, %mul3A_718 : i32
      %multiple_of3A = tpu.assume_multiple %add3A_720, 16 : i32
      %swap3A = arith.index_cast %multiple_of3A : i32 to index
      %swap3A_721 = tpu.vector_load %arg5[%swap3A] {strides = array<i32>} : memref<8192xf32, #tpu.memory_space<vmem>>, vector<16xf32>,
      tpu.vector_store %arg5[%swap3A], %broadcast_in_dim3A_245 {strides = array<i32>} : memref<8192xf32, #tpu.memory_space<vmem>>, vector<16xf32>,
    }
    %scan3A_263 = arith.constant 24 : i32
    %scan3A_264 = arith.constant 0 : i32
    %scan3A_265 = arith.constant 0 : i32
    %scan3A_266 = arith.constant 16 : i32
    %scan3A_267 = arith.addi %scan3A_265, %scan3A_266 : i32
    %scan3A_268 = arith.constant 1 : i32
    scf.for %scan3A_716 = %scan3A_265 to %scan3A_267 step %scan3A_268  : i32 {
      %mul3A_717 = arith.constant 16 : i32
      %mul3A_718 = arith.muli %mul3A_717, %scan3A_716 : i32
      %multiple_of3A = tpu.assume_multiple %mul3A_718, 16 : i32
      %swap3A = arith.constant 6 : i32
      %swap3A_719 = arith.index_cast %swap3A : i32 to index
      %swap3A_720 = arith.index_cast %multiple_of3A : i32 to index
      %swap3A_721 = tpu.vector_load %arg6[%swap3A_719, %swap3A_720] {strides = array<i32>} : memref<8x512xf32, #tpu.memory_space<vmem>>, vector<16xf32>,
      tpu.vector_store %arg6[%swap3A_719, %swap3A_720], %broadcast_in_dim3A_240 {strides = array<i32>} : memref<8x512xf32, #tpu.memory_space<vmem>>, vector<16xf32>,
      %mul3A_722 = arith.constant 16 : i32
      %mul3A_723 = arith.muli %mul3A_722, %scan3A_716 : i32
      %add3A_724 = arith.constant 256 : i32
      %add3A_725 = arith.addi %add3A_724, %mul3A_723 : i32
      %multiple_of3A_726 = tpu.assume_multiple %add3A_725, 16 : i32
      %swap3A_727 = arith.constant 6 : i32
      %swap3A_728 = arith.index_cast %swap3A_727 : i32 to index
      %swap3A_729 = arith.index_cast %multiple_of3A_726 : i32 to index
      %swap3A_730 = tpu.vector_load %arg6[%swap3A_728, %swap3A_729] {strides = array<i32>} : memref<8x512xf32, #tpu.memory_space<vmem>>, vector<16xf32>,
      tpu.vector_store %arg6[%swap3A_728, %swap3A_729], %broadcast_in_dim3A_245 {strides = array<i32>} : memref<8x512xf32, #tpu.memory_space<vmem>>, vector<16xf32>,
    }
    %scan3A_269 = arith.constant 16 : i32
    %get3A_270 = arith.constant 1904 : index
    %get3A_271 = tpu.vector_load %arg4[%get3A_270] {strides = array<i32>} : memref<2176xf32, #tpu.memory_space<vmem>>, vector<16xf32>,
    %slice3A_272 = vector.extract_strided_slice %get3A_271 {offsets = [0], sizes = [1], strides = [1]} : vector<16xf32> to vector<1xf32>
    %squeeze3A_273 = vector.extract %slice3A_272[0] : f32 from vector<1xf32>
    %broadcast_in_dim3A_274 = vector.broadcast %squeeze3A_273 : f32 to vector<16xf32>
    %get3A_275 = arith.constant 2160 : index
    %get3A_276 = tpu.vector_load %arg4[%get3A_275] {strides = array<i32>} : memref<2176xf32, #tpu.memory_space<vmem>>, vector<16xf32>,
    %slice3A_277 = vector.extract_strided_slice %get3A_276 {offsets = [0], sizes = [1], strides = [1]} : vector<16xf32> to vector<1xf32>
    %squeeze3A_278 = vector.extract %slice3A_277[0] : f32 from vector<1xf32>
    %broadcast_in_dim3A_279 = vector.broadcast %squeeze3A_278 : f32 to vector<16xf32>
    %scan3A_280 = arith.constant 0 : i32
    %scan3A_281 = arith.constant 0 : i32
    %scan3A_282 = arith.constant 24 : i32
    %scan3A_283 = arith.addi %scan3A_281, %scan3A_282 : i32
    %scan3A_284 = arith.constant 1 : i32
    scf.for %scan3A_716 = %scan3A_281 to %scan3A_283 step %scan3A_284  : i32 {
      %mul3A_717 = arith.constant 16 : i32
      %mul3A_718 = arith.muli %mul3A_717, %scan3A_716 : i32
      %add3A_719 = arith.constant 7168 : i32
      %add3A_720 = arith.addi %add3A_719, %mul3A_718 : i32
      %multiple_of3A = tpu.assume_multiple %add3A_720, 16 : i32
      %swap3A = arith.index_cast %multiple_of3A : i32 to index
      %swap3A_721 = tpu.vector_load %arg5[%swap3A] {strides = array<i32>} : memref<8192xf32, #tpu.memory_space<vmem>>, vector<16xf32>,
      tpu.vector_store %arg5[%swap3A], %broadcast_in_dim3A_274 {strides = array<i32>} : memref<8192xf32, #tpu.memory_space<vmem>>, vector<16xf32>,
    }
    %scan3A_285 = arith.constant 24 : i32
    %scan3A_286 = arith.constant 0 : i32
    %scan3A_287 = arith.constant 0 : i32
    %scan3A_288 = arith.constant 16 : i32
    %scan3A_289 = arith.addi %scan3A_287, %scan3A_288 : i32
    %scan3A_290 = arith.constant 1 : i32
    scf.for %scan3A_716 = %scan3A_287 to %scan3A_289 step %scan3A_290  : i32 {
      %mul3A_717 = arith.constant 16 : i32
      %mul3A_718 = arith.muli %mul3A_717, %scan3A_716 : i32
      %add3A_719 = arith.constant 1905 : i32
      %add3A_720 = arith.addi %add3A_719, %mul3A_718 : i32
      %add3A_721 = vector.broadcast %add3A_720 : i32 to vector<16xi32>
      %add3A_722 = arith.addi %add3A_721, %iota3A : vector<16xi32>
      %gather3A = tpu.vector_load_idx %arg4[%add3A_722] : memref<2176xf32, #tpu.memory_space<vmem>>[vector<16xi32>], vector<16xf32>,
      %mul3A_723 = arith.constant 16 : i32
      %mul3A_724 = arith.muli %mul3A_723, %scan3A_716 : i32
      %add3A_725 = arith.constant 7552 : i32
      %add3A_726 = arith.addi %add3A_725, %mul3A_724 : i32
      %multiple_of3A = tpu.assume_multiple %add3A_726, 16 : i32
      %swap3A = arith.index_cast %multiple_of3A : i32 to index
      %swap3A_727 = tpu.vector_load %arg5[%swap3A] {strides = array<i32>} : memref<8192xf32, #tpu.memory_space<vmem>>, vector<16xf32>,
      tpu.vector_store %arg5[%swap3A], %gather3A {strides = array<i32>} : memref<8192xf32, #tpu.memory_space<vmem>>, vector<16xf32>,
    }
    %scan3A_291 = arith.constant 16 : i32
    %scan3A_292 = arith.constant 0 : i32
    %scan3A_293 = arith.constant 0 : i32
    %scan3A_294 = arith.constant 24 : i32
    %scan3A_295 = arith.addi %scan3A_293, %scan3A_294 : i32
    %scan3A_296 = arith.constant 1 : i32
    scf.for %scan3A_716 = %scan3A_293 to %scan3A_295 step %scan3A_296  : i32 {
      %mul3A_717 = arith.constant 16 : i32
      %mul3A_718 = arith.muli %mul3A_717, %scan3A_716 : i32
      %add3A_719 = arith.constant 7808 : i32
      %add3A_720 = arith.addi %add3A_719, %mul3A_718 : i32
      %multiple_of3A = tpu.assume_multiple %add3A_720, 16 : i32
      %swap3A = arith.index_cast %multiple_of3A : i32 to index
      %swap3A_721 = tpu.vector_load %arg5[%swap3A] {strides = array<i32>} : memref<8192xf32, #tpu.memory_space<vmem>>, vector<16xf32>,
      tpu.vector_store %arg5[%swap3A], %broadcast_in_dim3A_279 {strides = array<i32>} : memref<8192xf32, #tpu.memory_space<vmem>>, vector<16xf32>,
    }
    %scan3A_297 = arith.constant 24 : i32
    %scan3A_298 = arith.constant 0 : i32
    %scan3A_299 = arith.constant 0 : i32
    %scan3A_300 = arith.constant 16 : i32
    %scan3A_301 = arith.addi %scan3A_299, %scan3A_300 : i32
    %scan3A_302 = arith.constant 1 : i32
    scf.for %scan3A_716 = %scan3A_299 to %scan3A_301 step %scan3A_302  : i32 {
      %mul3A_717 = arith.constant 16 : i32
      %mul3A_718 = arith.muli %mul3A_717, %scan3A_716 : i32
      %multiple_of3A = tpu.assume_multiple %mul3A_718, 16 : i32
      %swap3A = arith.constant 7 : i32
      %swap3A_719 = arith.index_cast %swap3A : i32 to index
      %swap3A_720 = arith.index_cast %multiple_of3A : i32 to index
      %swap3A_721 = tpu.vector_load %arg6[%swap3A_719, %swap3A_720] {strides = array<i32>} : memref<8x512xf32, #tpu.memory_space<vmem>>, vector<16xf32>,
      tpu.vector_store %arg6[%swap3A_719, %swap3A_720], %broadcast_in_dim3A_274 {strides = array<i32>} : memref<8x512xf32, #tpu.memory_space<vmem>>, vector<16xf32>,
      %mul3A_722 = arith.constant 16 : i32
      %mul3A_723 = arith.muli %mul3A_722, %scan3A_716 : i32
      %add3A_724 = arith.constant 256 : i32
      %add3A_725 = arith.addi %add3A_724, %mul3A_723 : i32
      %multiple_of3A_726 = tpu.assume_multiple %add3A_725, 16 : i32
      %swap3A_727 = arith.constant 7 : i32
      %swap3A_728 = arith.index_cast %swap3A_727 : i32 to index
      %swap3A_729 = arith.index_cast %multiple_of3A_726 : i32 to index
      %swap3A_730 = tpu.vector_load %arg6[%swap3A_728, %swap3A_729] {strides = array<i32>} : memref<8x512xf32, #tpu.memory_space<vmem>>, vector<16xf32>,
      tpu.vector_store %arg6[%swap3A_728, %swap3A_729], %broadcast_in_dim3A_279 {strides = array<i32>} : memref<8x512xf32, #tpu.memory_space<vmem>>, vector<16xf32>,
    }
    %scan3A_303 = arith.constant 16 : i32
    %scan3A_304 = arith.constant 0 : i32
    %scan3A_305 = arith.constant 0 : i32
    %scan3A_306 = arith.constant 512 : i32
    %scan3A_307 = arith.addi %scan3A_305, %scan3A_306 : i32
    %scan3A_308 = arith.constant 1 : i32
    scf.for %scan3A_716 = %scan3A_305 to %scan3A_307 step %scan3A_308  : i32 {
      %add3A_717 = arith.addi %mul3A_32, %scan3A_716 : i32
      %rem3A_718 = arith.constant 3 : i32
      %rem3A_719 = arith.remsi %scan3A_716, %rem3A_718 : i32
      %sub3A_720 = arith.constant 128 : i32
      %sub3A_721 = arith.subi %add3A_717, %sub3A_720 : i32
      %jit3A_722 = arith.constant 0 : i32
      %jit3A_723 = arith.constant 1536 : i32
      %max3A_724 = arith.maxsi %jit3A_722, %sub3A_721 : i32
      %min3A_725 = arith.minsi %jit3A_723, %max3A_724 : i32
      %jit3A_726 = arith.constant 256 : i32
      %div3A_727 = arith.divsi %min3A_725, %jit3A_726 : i32
      %sign3A_728 = arith.constant 0 : i32
      %sign3A_729 = arith.cmpi sgt, %min3A_725, %sign3A_728 : i32
      %sign3A_730 = arith.extui %sign3A_729 : i1 to i32
      %sign3A_731 = arith.constant 0 : i32
      %sign3A_732 = arith.cmpi slt, %min3A_725, %sign3A_731 : i32
      %sign3A_733 = arith.extui %sign3A_732 : i1 to i32
      %sign3A_734 = arith.subi %sign3A_730, %sign3A_733 : i32
      %sign3A_735 = arith.constant 0 : i32
      %sign3A_736 = arith.cmpi sgt, %jit3A_726, %sign3A_735 : i32
      %sign3A_737 = arith.extui %sign3A_736 : i1 to i32
      %sign3A_738 = arith.constant 0 : i32
      %sign3A_739 = arith.cmpi slt, %jit3A_726, %sign3A_738 : i32
      %sign3A_740 = arith.extui %sign3A_739 : i1 to i32
      %sign3A_741 = arith.subi %sign3A_737, %sign3A_740 : i32
      %ne3A_742 = arith.cmpi ne, %sign3A_734, %sign3A_741 : i32
      %rem3A_743 = arith.remsi %min3A_725, %jit3A_726 : i32
      %ne3A_744 = arith.constant 0 : i32
      %ne3A_745 = arith.cmpi ne, %rem3A_743, %ne3A_744 : i32
      %and3A_746 = arith.andi %ne3A_742, %ne3A_745 : i1
      %sub3A_747 = arith.constant 1 : i32
      %sub3A_748 = arith.subi %div3A_727, %sub3A_747 : i32
      %select_n3A_749 = arith.select %and3A_746, %sub3A_748, %div3A_727 : i32
      %mul3A_750 = arith.constant 256 : i32
      %mul3A_751 = arith.muli %select_n3A_749, %mul3A_750 : i32
      %add3A_752 = arith.constant 511 : i32
      %add3A_753 = arith.addi %mul3A_751, %add3A_752 : i32
      %sub3A_754 = arith.subi %add3A_753, %add3A_717 : i32
      %scan3A_755 = arith.constant 0 : i32
      %scan3A_756 = arith.constant 0 : i32
      %scan3A_757 = arith.constant 32 : i32
      %scan3A_758 = arith.addi %scan3A_756, %scan3A_757 : i32
      %scan3A_759 = arith.constant 1 : i32
      scf.for %scan3A_963 = %scan3A_756 to %scan3A_758 step %scan3A_759  : i32 {
        %mul3A_964 = arith.constant 16 : i32
        %mul3A_965 = arith.muli %mul3A_964, %scan3A_963 : i32
        %add3A_966 = arith.addi %sub3A_754, %mul3A_965 : i32
        %add3A_967 = vector.broadcast %add3A_966 : i32 to vector<16xi32>
        %add3A_968 = arith.addi %add3A_967, %iota3A : vector<16xi32>
        %add3A_969 = arith.constant 0 : i32
        %add3A_970 = vector.broadcast %add3A_969 : i32 to vector<16xi32>
        %add3A_971 = arith.addi %add3A_968, %add3A_970 : vector<16xi32>
        %gather3A = tpu.vector_load_idx %arg5[%add3A_971] : memref<8192xf32, #tpu.memory_space<vmem>>[vector<16xi32>], vector<16xf32>,
        %mul3A_972 = arith.constant 16 : i32
        %mul3A_973 = arith.muli %mul3A_972, %scan3A_963 : i32
        %multiple_of3A = tpu.assume_multiple %mul3A_973, 16 : i32
        %swap3A = arith.constant 0 : i32
        %swap3A_974 = arith.index_cast %rem3A_719 : i32 to index
        %swap3A_975 = arith.index_cast %swap3A : i32 to index
        %swap3A_976 = arith.index_cast %multiple_of3A : i32 to index
        %swap3A_977 = tpu.vector_load %arg7[%swap3A_974, %swap3A_975, %swap3A_976] {strides = array<i32>} : memref<3x8x512xf32, #tpu.memory_space<vmem>>, vector<16xf32>,
        tpu.vector_store %arg7[%swap3A_974, %swap3A_975, %swap3A_976], %gather3A {strides = array<i32>} : memref<3x8x512xf32, #tpu.memory_space<vmem>>, vector<16xf32>,
        %add3A_978 = arith.constant 1024 : i32
        %add3A_979 = vector.broadcast %add3A_978 : i32 to vector<16xi32>
        %add3A_980 = arith.addi %add3A_968, %add3A_979 : vector<16xi32>
        %gather3A_981 = tpu.vector_load_idx %arg5[%add3A_980] : memref<8192xf32, #tpu.memory_space<vmem>>[vector<16xi32>], vector<16xf32>,
        %mul3A_982 = arith.constant 16 : i32
        %mul3A_983 = arith.muli %mul3A_982, %scan3A_963 : i32
        %multiple_of3A_984 = tpu.assume_multiple %mul3A_983, 16 : i32
        %swap3A_985 = arith.constant 1 : i32
        %swap3A_986 = arith.index_cast %rem3A_719 : i32 to index
        %swap3A_987 = arith.index_cast %swap3A_985 : i32 to index
        %swap3A_988 = arith.index_cast %multiple_of3A_984 : i32 to index
        %swap3A_989 = tpu.vector_load %arg7[%swap3A_986, %swap3A_987, %swap3A_988] {strides = array<i32>} : memref<3x8x512xf32, #tpu.memory_space<vmem>>, vector<16xf32>,
        tpu.vector_store %arg7[%swap3A_986, %swap3A_987, %swap3A_988], %gather3A_981 {strides = array<i32>} : memref<3x8x512xf32, #tpu.memory_space<vmem>>, vector<16xf32>,
        %add3A_990 = arith.constant 2048 : i32
        %add3A_991 = vector.broadcast %add3A_990 : i32 to vector<16xi32>
        %add3A_992 = arith.addi %add3A_968, %add3A_991 : vector<16xi32>
        %gather3A_993 = tpu.vector_load_idx %arg5[%add3A_992] : memref<8192xf32, #tpu.memory_space<vmem>>[vector<16xi32>], vector<16xf32>,
        %mul3A_994 = arith.constant 16 : i32
        %mul3A_995 = arith.muli %mul3A_994, %scan3A_963 : i32
        %multiple_of3A_996 = tpu.assume_multiple %mul3A_995, 16 : i32
        %swap3A_997 = arith.constant 2 : i32
        %swap3A_998 = arith.index_cast %rem3A_719 : i32 to index
        %swap3A_999 = arith.index_cast %swap3A_997 : i32 to index
        %swap3A_1000 = arith.index_cast %multiple_of3A_996 : i32 to index
        %swap3A_1001 = tpu.vector_load %arg7[%swap3A_998, %swap3A_999, %swap3A_1000] {strides = array<i32>} : memref<3x8x512xf32, #tpu.memory_space<vmem>>, vector<16xf32>,
        tpu.vector_store %arg7[%swap3A_998, %swap3A_999, %swap3A_1000], %gather3A_993 {strides = array<i32>} : memref<3x8x512xf32, #tpu.memory_space<vmem>>, vector<16xf32>,
        %add3A_1002 = arith.constant 3072 : i32
        %add3A_1003 = vector.broadcast %add3A_1002 : i32 to vector<16xi32>
        %add3A_1004 = arith.addi %add3A_968, %add3A_1003 : vector<16xi32>
        %gather3A_1005 = tpu.vector_load_idx %arg5[%add3A_1004] : memref<8192xf32, #tpu.memory_space<vmem>>[vector<16xi32>], vector<16xf32>,
        %mul3A_1006 = arith.constant 16 : i32
        %mul3A_1007 = arith.muli %mul3A_1006, %scan3A_963 : i32
        %multiple_of3A_1008 = tpu.assume_multiple %mul3A_1007, 16 : i32
        %swap3A_1009 = arith.constant 3 : i32
        %swap3A_1010 = arith.index_cast %rem3A_719 : i32 to index
        %swap3A_1011 = arith.index_cast %swap3A_1009 : i32 to index
        %swap3A_1012 = arith.index_cast %multiple_of3A_1008 : i32 to index
        %swap3A_1013 = tpu.vector_load %arg7[%swap3A_1010, %swap3A_1011, %swap3A_1012] {strides = array<i32>} : memref<3x8x512xf32, #tpu.memory_space<vmem>>, vector<16xf32>,
        tpu.vector_store %arg7[%swap3A_1010, %swap3A_1011, %swap3A_1012], %gather3A_1005 {strides = array<i32>} : memref<3x8x512xf32, #tpu.memory_space<vmem>>, vector<16xf32>,
        %add3A_1014 = arith.constant 4096 : i32
        %add3A_1015 = vector.broadcast %add3A_1014 : i32 to vector<16xi32>
        %add3A_1016 = arith.addi %add3A_968, %add3A_1015 : vector<16xi32>
        %gather3A_1017 = tpu.vector_load_idx %arg5[%add3A_1016] : memref<8192xf32, #tpu.memory_space<vmem>>[vector<16xi32>], vector<16xf32>,
        %mul3A_1018 = arith.constant 16 : i32
        %mul3A_1019 = arith.muli %mul3A_1018, %scan3A_963 : i32
        %multiple_of3A_1020 = tpu.assume_multiple %mul3A_1019, 16 : i32
        %swap3A_1021 = arith.constant 4 : i32
        %swap3A_1022 = arith.index_cast %rem3A_719 : i32 to index
        %swap3A_1023 = arith.index_cast %swap3A_1021 : i32 to index
        %swap3A_1024 = arith.index_cast %multiple_of3A_1020 : i32 to index
        %swap3A_1025 = tpu.vector_load %arg7[%swap3A_1022, %swap3A_1023, %swap3A_1024] {strides = array<i32>} : memref<3x8x512xf32, #tpu.memory_space<vmem>>, vector<16xf32>,
        tpu.vector_store %arg7[%swap3A_1022, %swap3A_1023, %swap3A_1024], %gather3A_1017 {strides = array<i32>} : memref<3x8x512xf32, #tpu.memory_space<vmem>>, vector<16xf32>,
        %add3A_1026 = arith.constant 5120 : i32
        %add3A_1027 = vector.broadcast %add3A_1026 : i32 to vector<16xi32>
        %add3A_1028 = arith.addi %add3A_968, %add3A_1027 : vector<16xi32>
        %gather3A_1029 = tpu.vector_load_idx %arg5[%add3A_1028] : memref<8192xf32, #tpu.memory_space<vmem>>[vector<16xi32>], vector<16xf32>,
        %mul3A_1030 = arith.constant 16 : i32
        %mul3A_1031 = arith.muli %mul3A_1030, %scan3A_963 : i32
        %multiple_of3A_1032 = tpu.assume_multiple %mul3A_1031, 16 : i32
        %swap3A_1033 = arith.constant 5 : i32
        %swap3A_1034 = arith.index_cast %rem3A_719 : i32 to index
        %swap3A_1035 = arith.index_cast %swap3A_1033 : i32 to index
        %swap3A_1036 = arith.index_cast %multiple_of3A_1032 : i32 to index
        %swap3A_1037 = tpu.vector_load %arg7[%swap3A_1034, %swap3A_1035, %swap3A_1036] {strides = array<i32>} : memref<3x8x512xf32, #tpu.memory_space<vmem>>, vector<16xf32>,
        tpu.vector_store %arg7[%swap3A_1034, %swap3A_1035, %swap3A_1036], %gather3A_1029 {strides = array<i32>} : memref<3x8x512xf32, #tpu.memory_space<vmem>>, vector<16xf32>,
        %add3A_1038 = arith.constant 6144 : i32
        %add3A_1039 = vector.broadcast %add3A_1038 : i32 to vector<16xi32>
        %add3A_1040 = arith.addi %add3A_968, %add3A_1039 : vector<16xi32>
        %gather3A_1041 = tpu.vector_load_idx %arg5[%add3A_1040] : memref<8192xf32, #tpu.memory_space<vmem>>[vector<16xi32>], vector<16xf32>,
        %mul3A_1042 = arith.constant 16 : i32
        %mul3A_1043 = arith.muli %mul3A_1042, %scan3A_963 : i32
        %multiple_of3A_1044 = tpu.assume_multiple %mul3A_1043, 16 : i32
        %swap3A_1045 = arith.constant 6 : i32
        %swap3A_1046 = arith.index_cast %rem3A_719 : i32 to index
        %swap3A_1047 = arith.index_cast %swap3A_1045 : i32 to index
        %swap3A_1048 = arith.index_cast %multiple_of3A_1044 : i32 to index
        %swap3A_1049 = tpu.vector_load %arg7[%swap3A_1046, %swap3A_1047, %swap3A_1048] {strides = array<i32>} : memref<3x8x512xf32, #tpu.memory_space<vmem>>, vector<16xf32>,
        tpu.vector_store %arg7[%swap3A_1046, %swap3A_1047, %swap3A_1048], %gather3A_1041 {strides = array<i32>} : memref<3x8x512xf32, #tpu.memory_space<vmem>>, vector<16xf32>,
        %add3A_1050 = arith.constant 7168 : i32
        %add3A_1051 = vector.broadcast %add3A_1050 : i32 to vector<16xi32>
        %add3A_1052 = arith.addi %add3A_968, %add3A_1051 : vector<16xi32>
        %gather3A_1053 = tpu.vector_load_idx %arg5[%add3A_1052] : memref<8192xf32, #tpu.memory_space<vmem>>[vector<16xi32>], vector<16xf32>,
        %mul3A_1054 = arith.constant 16 : i32
        %mul3A_1055 = arith.muli %mul3A_1054, %scan3A_963 : i32
        %multiple_of3A_1056 = tpu.assume_multiple %mul3A_1055, 16 : i32
        %swap3A_1057 = arith.constant 7 : i32
        %swap3A_1058 = arith.index_cast %rem3A_719 : i32 to index
        %swap3A_1059 = arith.index_cast %swap3A_1057 : i32 to index
        %swap3A_1060 = arith.index_cast %multiple_of3A_1056 : i32 to index
        %swap3A_1061 = tpu.vector_load %arg7[%swap3A_1058, %swap3A_1059, %swap3A_1060] {strides = array<i32>} : memref<3x8x512xf32, #tpu.memory_space<vmem>>, vector<16xf32>,
        tpu.vector_store %arg7[%swap3A_1058, %swap3A_1059, %swap3A_1060], %gather3A_1053 {strides = array<i32>} : memref<3x8x512xf32, #tpu.memory_space<vmem>>, vector<16xf32>,
      }
      %scan3A_760 = arith.constant 32 : i32
      %sub3A_761 = arith.constant 128 : i32
      %sub3A_762 = arith.subi %add3A_717, %sub3A_761 : i32
      %jit3A_763 = arith.constant 0 : i32
      %jit3A_764 = arith.constant 1536 : i32
      %max3A_765 = arith.maxsi %jit3A_763, %sub3A_762 : i32
      %min3A_766 = arith.minsi %jit3A_764, %max3A_765 : i32
      %jit3A_767 = arith.constant 256 : i32
      %div3A_768 = arith.divsi %min3A_766, %jit3A_767 : i32
      %sign3A_769 = arith.constant 0 : i32
      %sign3A_770 = arith.cmpi sgt, %min3A_766, %sign3A_769 : i32
      %sign3A_771 = arith.extui %sign3A_770 : i1 to i32
      %sign3A_772 = arith.constant 0 : i32
      %sign3A_773 = arith.cmpi slt, %min3A_766, %sign3A_772 : i32
      %sign3A_774 = arith.extui %sign3A_773 : i1 to i32
      %sign3A_775 = arith.subi %sign3A_771, %sign3A_774 : i32
      %sign3A_776 = arith.constant 0 : i32
      %sign3A_777 = arith.cmpi sgt, %jit3A_767, %sign3A_776 : i32
      %sign3A_778 = arith.extui %sign3A_777 : i1 to i32
      %sign3A_779 = arith.constant 0 : i32
      %sign3A_780 = arith.cmpi slt, %jit3A_767, %sign3A_779 : i32
      %sign3A_781 = arith.extui %sign3A_780 : i1 to i32
      %sign3A_782 = arith.subi %sign3A_778, %sign3A_781 : i32
      %ne3A_783 = arith.cmpi ne, %sign3A_775, %sign3A_782 : i32
      %rem3A_784 = arith.remsi %min3A_766, %jit3A_767 : i32
      %ne3A_785 = arith.constant 0 : i32
      %ne3A_786 = arith.cmpi ne, %rem3A_784, %ne3A_785 : i32
      %and3A_787 = arith.andi %ne3A_783, %ne3A_786 : i1
      %sub3A_788 = arith.constant 1 : i32
      %sub3A_789 = arith.subi %div3A_768, %sub3A_788 : i32
      %select_n3A_790 = arith.select %and3A_787, %sub3A_789, %div3A_768 : i32
      %mul3A_791 = arith.constant 256 : i32
      %mul3A_792 = arith.muli %select_n3A_790, %mul3A_791 : i32
      %jit3A_793 = arith.constant 256 : i32
      %div3A_794 = arith.divsi %mul3A_792, %jit3A_793 : i32
      %sign3A_795 = arith.constant 0 : i32
      %sign3A_796 = arith.cmpi sgt, %mul3A_792, %sign3A_795 : i32
      %sign3A_797 = arith.extui %sign3A_796 : i1 to i32
      %sign3A_798 = arith.constant 0 : i32
      %sign3A_799 = arith.cmpi slt, %mul3A_792, %sign3A_798 : i32
      %sign3A_800 = arith.extui %sign3A_799 : i1 to i32
      %sign3A_801 = arith.subi %sign3A_797, %sign3A_800 : i32
      %sign3A_802 = arith.constant 0 : i32
      %sign3A_803 = arith.cmpi sgt, %jit3A_793, %sign3A_802 : i32
      %sign3A_804 = arith.extui %sign3A_803 : i1 to i32
      %sign3A_805 = arith.constant 0 : i32
      %sign3A_806 = arith.cmpi slt, %jit3A_793, %sign3A_805 : i32
      %sign3A_807 = arith.extui %sign3A_806 : i1 to i32
      %sign3A_808 = arith.subi %sign3A_804, %sign3A_807 : i32
      %ne3A_809 = arith.cmpi ne, %sign3A_801, %sign3A_808 : i32
      %rem3A_810 = arith.remsi %mul3A_792, %jit3A_793 : i32
      %ne3A_811 = arith.constant 0 : i32
      %ne3A_812 = arith.cmpi ne, %rem3A_810, %ne3A_811 : i32
      %and3A_813 = arith.andi %ne3A_809, %ne3A_812 : i1
      %sub3A_814 = arith.constant 1 : i32
      %sub3A_815 = arith.subi %div3A_794, %sub3A_814 : i32
      %select_n3A_816 = arith.select %and3A_813, %sub3A_815, %div3A_794 : i32
      %gt3A_817 = arith.constant 0 : i32
      %gt3A_818 = arith.cmpi sgt, %select_n3A_816, %gt3A_817 : i32
      %add3A_819 = arith.constant 512 : i32
      %add3A_820 = arith.addi %mul3A_792, %add3A_819 : i32
      %add3A_821 = arith.constant 0 : i32
      %add3A_822 = arith.addi %add3A_820, %add3A_821 : i32
      %mul3A_823 = arith.constant 256 : i32
      %mul3A_824 = arith.muli %mul3A_823, %select_n3A_816 : i32
      %sub3A_825 = arith.subi %add3A_822, %mul3A_824 : i32
      %jit3A_826 = arith.constant 0 : i32
      %select_n3A_827 = arith.select %gt3A_818, %jit3A_826, %sub3A_825 : i32
      %jit3A_828 = arith.constant 0 : i32
      %jit3A_829 = arith.constant 256 : i32
      %select_n3A_830 = arith.select %gt3A_818, %jit3A_828, %jit3A_829 : i32
      %gt3A_831 = arith.constant 1 : i32
      %gt3A_832 = arith.cmpi sgt, %select_n3A_816, %gt3A_831 : i32
      %add3A_833 = arith.constant 512 : i32
      %add3A_834 = arith.addi %mul3A_792, %add3A_833 : i32
      %add3A_835 = arith.constant 256 : i32
      %add3A_836 = arith.addi %add3A_834, %add3A_835 : i32
      %mul3A_837 = arith.constant 256 : i32
      %mul3A_838 = arith.muli %mul3A_837, %select_n3A_816 : i32
      %sub3A_839 = arith.subi %add3A_836, %mul3A_838 : i32
      %jit3A_840 = arith.constant 256 : i32
      %select_n3A_841 = arith.select %gt3A_832, %jit3A_840, %sub3A_839 : i32
      %jit3A_842 = arith.constant 0 : i32
      %jit3A_843 = arith.constant 256 : i32
      %select_n3A_844 = arith.select %gt3A_832, %jit3A_842, %jit3A_843 : i32
      %gt3A_845 = arith.constant 2 : i32
      %gt3A_846 = arith.cmpi sgt, %select_n3A_816, %gt3A_845 : i32
      %add3A_847 = arith.constant 512 : i32
      %add3A_848 = arith.addi %mul3A_792, %add3A_847 : i32
      %add3A_849 = arith.constant 512 : i32
      %add3A_850 = arith.addi %add3A_848, %add3A_849 : i32
      %mul3A_851 = arith.constant 256 : i32
      %mul3A_852 = arith.muli %mul3A_851, %select_n3A_816 : i32
      %sub3A_853 = arith.subi %add3A_850, %mul3A_852 : i32
      %jit3A_854 = arith.constant 512 : i32
      %select_n3A_855 = arith.select %gt3A_846, %jit3A_854, %sub3A_853 : i32
      %jit3A_856 = arith.constant 0 : i32
      %jit3A_857 = arith.constant 256 : i32
      %select_n3A_858 = arith.select %gt3A_846, %jit3A_856, %jit3A_857 : i32
      %gt3A_859 = arith.constant 3 : i32
      %gt3A_860 = arith.cmpi sgt, %select_n3A_816, %gt3A_859 : i32
      %add3A_861 = arith.constant 512 : i32
      %add3A_862 = arith.addi %mul3A_792, %add3A_861 : i32
      %add3A_863 = arith.constant 768 : i32
      %add3A_864 = arith.addi %add3A_862, %add3A_863 : i32
      %mul3A_865 = arith.constant 256 : i32
      %mul3A_866 = arith.muli %mul3A_865, %select_n3A_816 : i32
      %sub3A_867 = arith.subi %add3A_864, %mul3A_866 : i32
      %jit3A_868 = arith.constant 768 : i32
      %select_n3A_869 = arith.select %gt3A_860, %jit3A_868, %sub3A_867 : i32
      %jit3A_870 = arith.constant 0 : i32
      %jit3A_871 = arith.constant 256 : i32
      %select_n3A_872 = arith.select %gt3A_860, %jit3A_870, %jit3A_871 : i32
      %gt3A_873 = arith.constant 4 : i32
      %gt3A_874 = arith.cmpi sgt, %select_n3A_816, %gt3A_873 : i32
      %add3A_875 = arith.constant 512 : i32
      %add3A_876 = arith.addi %mul3A_792, %add3A_875 : i32
      %add3A_877 = arith.constant 1024 : i32
      %add3A_878 = arith.addi %add3A_876, %add3A_877 : i32
      %mul3A_879 = arith.constant 256 : i32
      %mul3A_880 = arith.muli %mul3A_879, %select_n3A_816 : i32
      %sub3A_881 = arith.subi %add3A_878, %mul3A_880 : i32
      %jit3A_882 = arith.constant 1024 : i32
      %select_n3A_883 = arith.select %gt3A_874, %jit3A_882, %sub3A_881 : i32
      %jit3A_884 = arith.constant 0 : i32
      %jit3A_885 = arith.constant 256 : i32
      %select_n3A_886 = arith.select %gt3A_874, %jit3A_884, %jit3A_885 : i32
      %gt3A_887 = arith.constant 5 : i32
      %gt3A_888 = arith.cmpi sgt, %select_n3A_816, %gt3A_887 : i32
      %add3A_889 = arith.constant 512 : i32
      %add3A_890 = arith.addi %mul3A_792, %add3A_889 : i32
      %add3A_891 = arith.constant 1280 : i32
      %add3A_892 = arith.addi %add3A_890, %add3A_891 : i32
      %mul3A_893 = arith.constant 256 : i32
      %mul3A_894 = arith.muli %mul3A_893, %select_n3A_816 : i32
      %sub3A_895 = arith.subi %add3A_892, %mul3A_894 : i32
      %jit3A_896 = arith.constant 1280 : i32
      %select_n3A_897 = arith.select %gt3A_888, %jit3A_896, %sub3A_895 : i32
      %jit3A_898 = arith.constant 0 : i32
      %jit3A_899 = arith.constant 256 : i32
      %select_n3A_900 = arith.select %gt3A_888, %jit3A_898, %jit3A_899 : i32
      %dma_start3A = arith.constant 0 : i32
      %dma_start3A_901 = arith.constant 0 : i32
      %dma_start3A_902 = tpu.memref_slice %arg7[%rem3A_719, %dma_start3A, %dma_start3A_901] : memref<3x8x512xf32, #tpu.memory_space<vmem>> -> memref<1x8x512xf32, #tpu.memory_space<vmem>>
      %dma_start3A_903 = tpu.memref_squeeze %dma_start3A_902 : memref<1x8x512xf32, #tpu.memory_space<vmem>> -> memref<8x512xf32, #tpu.memory_space<vmem>>
      %dma_start3A_904 = tpu.memref_slice %arg3[%add3A_717, %mul3A_34, %mul3A_792] : memref<2048x64x2048xf32, #tpu.memory_space<hbm>> -> memref<1x8x512xf32, #tpu.memory_space<hbm>>
      %dma_start3A_905 = tpu.memref_squeeze %dma_start3A_904 : memref<1x8x512xf32, #tpu.memory_space<hbm>> -> memref<8x512xf32, #tpu.memory_space<hbm>>
      %dma_start3A_906 = tpu.memref_slice %arg3[%add3A_717, %mul3A_34, %mul3A_792] : memref<2048x64x2048xf32, #tpu.memory_space<hbm>> -> memref<1x8x512xf32, #tpu.memory_space<hbm>>
      %dma_start3A_907 = tpu.memref_squeeze %dma_start3A_906 : memref<1x8x512xf32, #tpu.memory_space<hbm>> -> memref<8x512xf32, #tpu.memory_space<hbm>>
      %dma_start3A_908 = arith.constant 0 : i32
      %dma_start3A_909 = arith.constant 0 : i32
      %dma_start3A_910 = tpu.memref_slice %arg7[%rem3A_719, %dma_start3A_908, %dma_start3A_909] : memref<3x8x512xf32, #tpu.memory_space<vmem>> -> memref<1x8x512xf32, #tpu.memory_space<vmem>>
      %dma_start3A_911 = tpu.memref_squeeze %dma_start3A_910 : memref<1x8x512xf32, #tpu.memory_space<vmem>> -> memref<8x512xf32, #tpu.memory_space<vmem>>
      tpu.enqueue_dma source(%dma_start3A_911 : memref<8x512xf32, #tpu.memory_space<vmem>>) target(%dma_start3A_907 : memref<8x512xf32, #tpu.memory_space<hbm>>) target_semaphore(%arg8 : memref<!tpu.dma_semaphore, #tpu.memory_space<semaphore_mem>>)
      %dma_start3A_912 = arith.constant 0 : i32
      %dma_start3A_913 = tpu.memref_slice %arg6[%dma_start3A_912, %select_n3A_830] : memref<8x512xf32, #tpu.memory_space<vmem>> -> memref<8x256xf32, #tpu.memory_space<vmem>>
      %dma_start3A_914 = tpu.memref_slice %arg3[%add3A_717, %mul3A_34, %select_n3A_827] : memref<2048x64x2048xf32, #tpu.memory_space<hbm>> -> memref<1x8x256xf32, #tpu.memory_space<hbm>>
      %dma_start3A_915 = tpu.memref_squeeze %dma_start3A_914 : memref<1x8x256xf32, #tpu.memory_space<hbm>> -> memref<8x256xf32, #tpu.memory_space<hbm>>
      %dma_start3A_916 = tpu.memref_slice %arg3[%add3A_717, %mul3A_34, %select_n3A_827] : memref<2048x64x2048xf32, #tpu.memory_space<hbm>> -> memref<1x8x256xf32, #tpu.memory_space<hbm>>
      %dma_start3A_917 = tpu.memref_squeeze %dma_start3A_916 : memref<1x8x256xf32, #tpu.memory_space<hbm>> -> memref<8x256xf32, #tpu.memory_space<hbm>>
      %dma_start3A_918 = arith.constant 0 : i32
      %dma_start3A_919 = tpu.memref_slice %arg6[%dma_start3A_918, %select_n3A_830] : memref<8x512xf32, #tpu.memory_space<vmem>> -> memref<8x256xf32, #tpu.memory_space<vmem>>
      tpu.enqueue_dma source(%dma_start3A_919 : memref<8x256xf32, #tpu.memory_space<vmem>>) target(%dma_start3A_917 : memref<8x256xf32, #tpu.memory_space<hbm>>) target_semaphore(%arg8 : memref<!tpu.dma_semaphore, #tpu.memory_space<semaphore_mem>>)
      %dma_start3A_920 = arith.constant 0 : i32
      %dma_start3A_921 = tpu.memref_slice %arg6[%dma_start3A_920, %select_n3A_844] : memref<8x512xf32, #tpu.memory_space<vmem>> -> memref<8x256xf32, #tpu.memory_space<vmem>>
      %dma_start3A_922 = tpu.memref_slice %arg3[%add3A_717, %mul3A_34, %select_n3A_841] : memref<2048x64x2048xf32, #tpu.memory_space<hbm>> -> memref<1x8x256xf32, #tpu.memory_space<hbm>>
      %dma_start3A_923 = tpu.memref_squeeze %dma_start3A_922 : memref<1x8x256xf32, #tpu.memory_space<hbm>> -> memref<8x256xf32, #tpu.memory_space<hbm>>
      %dma_start3A_924 = tpu.memref_slice %arg3[%add3A_717, %mul3A_34, %select_n3A_841] : memref<2048x64x2048xf32, #tpu.memory_space<hbm>> -> memref<1x8x256xf32, #tpu.memory_space<hbm>>
      %dma_start3A_925 = tpu.memref_squeeze %dma_start3A_924 : memref<1x8x256xf32, #tpu.memory_space<hbm>> -> memref<8x256xf32, #tpu.memory_space<hbm>>
      %dma_start3A_926 = arith.constant 0 : i32
      %dma_start3A_927 = tpu.memref_slice %arg6[%dma_start3A_926, %select_n3A_844] : memref<8x512xf32, #tpu.memory_space<vmem>> -> memref<8x256xf32, #tpu.memory_space<vmem>>
      tpu.enqueue_dma source(%dma_start3A_927 : memref<8x256xf32, #tpu.memory_space<vmem>>) target(%dma_start3A_925 : memref<8x256xf32, #tpu.memory_space<hbm>>) target_semaphore(%arg8 : memref<!tpu.dma_semaphore, #tpu.memory_space<semaphore_mem>>)
      %dma_start3A_928 = arith.constant 0 : i32
      %dma_start3A_929 = tpu.memref_slice %arg6[%dma_start3A_928, %select_n3A_858] : memref<8x512xf32, #tpu.memory_space<vmem>> -> memref<8x256xf32, #tpu.memory_space<vmem>>
      %dma_start3A_930 = tpu.memref_slice %arg3[%add3A_717, %mul3A_34, %select_n3A_855] : memref<2048x64x2048xf32, #tpu.memory_space<hbm>> -> memref<1x8x256xf32, #tpu.memory_space<hbm>>
      %dma_start3A_931 = tpu.memref_squeeze %dma_start3A_930 : memref<1x8x256xf32, #tpu.memory_space<hbm>> -> memref<8x256xf32, #tpu.memory_space<hbm>>
      %dma_start3A_932 = tpu.memref_slice %arg3[%add3A_717, %mul3A_34, %select_n3A_855] : memref<2048x64x2048xf32, #tpu.memory_space<hbm>> -> memref<1x8x256xf32, #tpu.memory_space<hbm>>
      %dma_start3A_933 = tpu.memref_squeeze %dma_start3A_932 : memref<1x8x256xf32, #tpu.memory_space<hbm>> -> memref<8x256xf32, #tpu.memory_space<hbm>>
      %dma_start3A_934 = arith.constant 0 : i32
      %dma_start3A_935 = tpu.memref_slice %arg6[%dma_start3A_934, %select_n3A_858] : memref<8x512xf32, #tpu.memory_space<vmem>> -> memref<8x256xf32, #tpu.memory_space<vmem>>
      tpu.enqueue_dma source(%dma_start3A_935 : memref<8x256xf32, #tpu.memory_space<vmem>>) target(%dma_start3A_933 : memref<8x256xf32, #tpu.memory_space<hbm>>) target_semaphore(%arg8 : memref<!tpu.dma_semaphore, #tpu.memory_space<semaphore_mem>>)
      %dma_start3A_936 = arith.constant 0 : i32
      %dma_start3A_937 = tpu.memref_slice %arg6[%dma_start3A_936, %select_n3A_872] : memref<8x512xf32, #tpu.memory_space<vmem>> -> memref<8x256xf32, #tpu.memory_space<vmem>>
      %dma_start3A_938 = tpu.memref_slice %arg3[%add3A_717, %mul3A_34, %select_n3A_869] : memref<2048x64x2048xf32, #tpu.memory_space<hbm>> -> memref<1x8x256xf32, #tpu.memory_space<hbm>>
      %dma_start3A_939 = tpu.memref_squeeze %dma_start3A_938 : memref<1x8x256xf32, #tpu.memory_space<hbm>> -> memref<8x256xf32, #tpu.memory_space<hbm>>
      %dma_start3A_940 = tpu.memref_slice %arg3[%add3A_717, %mul3A_34, %select_n3A_869] : memref<2048x64x2048xf32, #tpu.memory_space<hbm>> -> memref<1x8x256xf32, #tpu.memory_space<hbm>>
      %dma_start3A_941 = tpu.memref_squeeze %dma_start3A_940 : memref<1x8x256xf32, #tpu.memory_space<hbm>> -> memref<8x256xf32, #tpu.memory_space<hbm>>
      %dma_start3A_942 = arith.constant 0 : i32
      %dma_start3A_943 = tpu.memref_slice %arg6[%dma_start3A_942, %select_n3A_872] : memref<8x512xf32, #tpu.memory_space<vmem>> -> memref<8x256xf32, #tpu.memory_space<vmem>>
      tpu.enqueue_dma source(%dma_start3A_943 : memref<8x256xf32, #tpu.memory_space<vmem>>) target(%dma_start3A_941 : memref<8x256xf32, #tpu.memory_space<hbm>>) target_semaphore(%arg8 : memref<!tpu.dma_semaphore, #tpu.memory_space<semaphore_mem>>)
      %dma_start3A_944 = arith.constant 0 : i32
      %dma_start3A_945 = tpu.memref_slice %arg6[%dma_start3A_944, %select_n3A_886] : memref<8x512xf32, #tpu.memory_space<vmem>> -> memref<8x256xf32, #tpu.memory_space<vmem>>
      %dma_start3A_946 = tpu.memref_slice %arg3[%add3A_717, %mul3A_34, %select_n3A_883] : memref<2048x64x2048xf32, #tpu.memory_space<hbm>> -> memref<1x8x256xf32, #tpu.memory_space<hbm>>
      %dma_start3A_947 = tpu.memref_squeeze %dma_start3A_946 : memref<1x8x256xf32, #tpu.memory_space<hbm>> -> memref<8x256xf32, #tpu.memory_space<hbm>>
      %dma_start3A_948 = tpu.memref_slice %arg3[%add3A_717, %mul3A_34, %select_n3A_883] : memref<2048x64x2048xf32, #tpu.memory_space<hbm>> -> memref<1x8x256xf32, #tpu.memory_space<hbm>>
      %dma_start3A_949 = tpu.memref_squeeze %dma_start3A_948 : memref<1x8x256xf32, #tpu.memory_space<hbm>> -> memref<8x256xf32, #tpu.memory_space<hbm>>
      %dma_start3A_950 = arith.constant 0 : i32
      %dma_start3A_951 = tpu.memref_slice %arg6[%dma_start3A_950, %select_n3A_886] : memref<8x512xf32, #tpu.memory_space<vmem>> -> memref<8x256xf32, #tpu.memory_space<vmem>>
      tpu.enqueue_dma source(%dma_start3A_951 : memref<8x256xf32, #tpu.memory_space<vmem>>) target(%dma_start3A_949 : memref<8x256xf32, #tpu.memory_space<hbm>>) target_semaphore(%arg8 : memref<!tpu.dma_semaphore, #tpu.memory_space<semaphore_mem>>)
      %dma_start3A_952 = arith.constant 0 : i32
      %dma_start3A_953 = tpu.memref_slice %arg6[%dma_start3A_952, %select_n3A_900] : memref<8x512xf32, #tpu.memory_space<vmem>> -> memref<8x256xf32, #tpu.memory_space<vmem>>
      %dma_start3A_954 = tpu.memref_slice %arg3[%add3A_717, %mul3A_34, %select_n3A_897] : memref<2048x64x2048xf32, #tpu.memory_space<hbm>> -> memref<1x8x256xf32, #tpu.memory_space<hbm>>
      %dma_start3A_955 = tpu.memref_squeeze %dma_start3A_954 : memref<1x8x256xf32, #tpu.memory_space<hbm>> -> memref<8x256xf32, #tpu.memory_space<hbm>>
      %dma_start3A_956 = tpu.memref_slice %arg3[%add3A_717, %mul3A_34, %select_n3A_897] : memref<2048x64x2048xf32, #tpu.memory_space<hbm>> -> memref<1x8x256xf32, #tpu.memory_space<hbm>>
      %dma_start3A_957 = tpu.memref_squeeze %dma_start3A_956 : memref<1x8x256xf32, #tpu.memory_space<hbm>> -> memref<8x256xf32, #tpu.memory_space<hbm>>
      %dma_start3A_958 = arith.constant 0 : i32
      %dma_start3A_959 = tpu.memref_slice %arg6[%dma_start3A_958, %select_n3A_900] : memref<8x512xf32, #tpu.memory_space<vmem>> -> memref<8x256xf32, #tpu.memory_space<vmem>>
      tpu.enqueue_dma source(%dma_start3A_959 : memref<8x256xf32, #tpu.memory_space<vmem>>) target(%dma_start3A_957 : memref<8x256xf32, #tpu.memory_space<hbm>>) target_semaphore(%arg8 : memref<!tpu.dma_semaphore, #tpu.memory_space<semaphore_mem>>)
      %gt3A_960 = arith.constant 1 : i32
      %gt3A_961 = arith.cmpi sgt, %scan3A_716, %gt3A_960 : i32
      %convert_element_type3A = arith.extui %gt3A_961 : i1 to i32
      %cond3A = arith.constant 0 : i32
      %cond3A_962 = arith.cmpi ne, %convert_element_type3A, %cond3A : i32
      scf.if %cond3A_962 {
        %sub3A_963 = arith.constant 2 : i32
        %sub3A_964 = arith.subi %add3A_717, %sub3A_963 : i32
        %add3A_965 = arith.constant 1 : i32
        %add3A_966 = arith.addi %scan3A_716, %add3A_965 : i32
        %rem3A_967 = arith.constant 3 : i32
        %rem3A_968 = arith.remsi %add3A_966, %rem3A_967 : i32
        %sub3A_969 = arith.constant 128 : i32
        %sub3A_970 = arith.subi %sub3A_964, %sub3A_969 : i32
        %jit3A_971 = arith.constant 0 : i32
        %jit3A_972 = arith.constant 1536 : i32
        %max3A_973 = arith.maxsi %jit3A_971, %sub3A_970 : i32
        %min3A_974 = arith.minsi %jit3A_972, %max3A_973 : i32
        %jit3A_975 = arith.constant 256 : i32
        %div3A_976 = arith.divsi %min3A_974, %jit3A_975 : i32
        %sign3A_977 = arith.constant 0 : i32
        %sign3A_978 = arith.cmpi sgt, %min3A_974, %sign3A_977 : i32
        %sign3A_979 = arith.extui %sign3A_978 : i1 to i32
        %sign3A_980 = arith.constant 0 : i32
        %sign3A_981 = arith.cmpi slt, %min3A_974, %sign3A_980 : i32
        %sign3A_982 = arith.extui %sign3A_981 : i1 to i32
        %sign3A_983 = arith.subi %sign3A_979, %sign3A_982 : i32
        %sign3A_984 = arith.constant 0 : i32
        %sign3A_985 = arith.cmpi sgt, %jit3A_975, %sign3A_984 : i32
        %sign3A_986 = arith.extui %sign3A_985 : i1 to i32
        %sign3A_987 = arith.constant 0 : i32
        %sign3A_988 = arith.cmpi slt, %jit3A_975, %sign3A_987 : i32
        %sign3A_989 = arith.extui %sign3A_988 : i1 to i32
        %sign3A_990 = arith.subi %sign3A_986, %sign3A_989 : i32
        %ne3A_991 = arith.cmpi ne, %sign3A_983, %sign3A_990 : i32
        %rem3A_992 = arith.remsi %min3A_974, %jit3A_975 : i32
        %ne3A_993 = arith.constant 0 : i32
        %ne3A_994 = arith.cmpi ne, %rem3A_992, %ne3A_993 : i32
        %and3A_995 = arith.andi %ne3A_991, %ne3A_994 : i1
        %sub3A_996 = arith.constant 1 : i32
        %sub3A_997 = arith.subi %div3A_976, %sub3A_996 : i32
        %select_n3A_998 = arith.select %and3A_995, %sub3A_997, %div3A_976 : i32
        %mul3A_999 = arith.constant 256 : i32
        %mul3A_1000 = arith.muli %select_n3A_998, %mul3A_999 : i32
        %jit3A_1001 = arith.constant 256 : i32
        %div3A_1002 = arith.divsi %mul3A_1000, %jit3A_1001 : i32
        %sign3A_1003 = arith.constant 0 : i32
        %sign3A_1004 = arith.cmpi sgt, %mul3A_1000, %sign3A_1003 : i32
        %sign3A_1005 = arith.extui %sign3A_1004 : i1 to i32
        %sign3A_1006 = arith.constant 0 : i32
        %sign3A_1007 = arith.cmpi slt, %mul3A_1000, %sign3A_1006 : i32
        %sign3A_1008 = arith.extui %sign3A_1007 : i1 to i32
        %sign3A_1009 = arith.subi %sign3A_1005, %sign3A_1008 : i32
        %sign3A_1010 = arith.constant 0 : i32
        %sign3A_1011 = arith.cmpi sgt, %jit3A_1001, %sign3A_1010 : i32
        %sign3A_1012 = arith.extui %sign3A_1011 : i1 to i32
        %sign3A_1013 = arith.constant 0 : i32
        %sign3A_1014 = arith.cmpi slt, %jit3A_1001, %sign3A_1013 : i32
        %sign3A_1015 = arith.extui %sign3A_1014 : i1 to i32
        %sign3A_1016 = arith.subi %sign3A_1012, %sign3A_1015 : i32
        %ne3A_1017 = arith.cmpi ne, %sign3A_1009, %sign3A_1016 : i32
        %rem3A_1018 = arith.remsi %mul3A_1000, %jit3A_1001 : i32
        %ne3A_1019 = arith.constant 0 : i32
        %ne3A_1020 = arith.cmpi ne, %rem3A_1018, %ne3A_1019 : i32
        %and3A_1021 = arith.andi %ne3A_1017, %ne3A_1020 : i1
        %sub3A_1022 = arith.constant 1 : i32
        %sub3A_1023 = arith.subi %div3A_1002, %sub3A_1022 : i32
        %select_n3A_1024 = arith.select %and3A_1021, %sub3A_1023, %div3A_1002 : i32
        %gt3A_1025 = arith.constant 0 : i32
        %gt3A_1026 = arith.cmpi sgt, %select_n3A_1024, %gt3A_1025 : i32
        %add3A_1027 = arith.constant 512 : i32
        %add3A_1028 = arith.addi %mul3A_1000, %add3A_1027 : i32
        %add3A_1029 = arith.constant 0 : i32
        %add3A_1030 = arith.addi %add3A_1028, %add3A_1029 : i32
        %mul3A_1031 = arith.constant 256 : i32
        %mul3A_1032 = arith.muli %mul3A_1031, %select_n3A_1024 : i32
        %sub3A_1033 = arith.subi %add3A_1030, %mul3A_1032 : i32
        %jit3A_1034 = arith.constant 0 : i32
        %select_n3A_1035 = arith.select %gt3A_1026, %jit3A_1034, %sub3A_1033 : i32
        %jit3A_1036 = arith.constant 0 : i32
        %jit3A_1037 = arith.constant 256 : i32
        %select_n3A_1038 = arith.select %gt3A_1026, %jit3A_1036, %jit3A_1037 : i32
        %gt3A_1039 = arith.constant 1 : i32
        %gt3A_1040 = arith.cmpi sgt, %select_n3A_1024, %gt3A_1039 : i32
        %add3A_1041 = arith.constant 512 : i32
        %add3A_1042 = arith.addi %mul3A_1000, %add3A_1041 : i32
        %add3A_1043 = arith.constant 256 : i32
        %add3A_1044 = arith.addi %add3A_1042, %add3A_1043 : i32
        %mul3A_1045 = arith.constant 256 : i32
        %mul3A_1046 = arith.muli %mul3A_1045, %select_n3A_1024 : i32
        %sub3A_1047 = arith.subi %add3A_1044, %mul3A_1046 : i32
        %jit3A_1048 = arith.constant 256 : i32
        %select_n3A_1049 = arith.select %gt3A_1040, %jit3A_1048, %sub3A_1047 : i32
        %jit3A_1050 = arith.constant 0 : i32
        %jit3A_1051 = arith.constant 256 : i32
        %select_n3A_1052 = arith.select %gt3A_1040, %jit3A_1050, %jit3A_1051 : i32
        %gt3A_1053 = arith.constant 2 : i32
        %gt3A_1054 = arith.cmpi sgt, %select_n3A_1024, %gt3A_1053 : i32
        %add3A_1055 = arith.constant 512 : i32
        %add3A_1056 = arith.addi %mul3A_1000, %add3A_1055 : i32
        %add3A_1057 = arith.constant 512 : i32
        %add3A_1058 = arith.addi %add3A_1056, %add3A_1057 : i32
        %mul3A_1059 = arith.constant 256 : i32
        %mul3A_1060 = arith.muli %mul3A_1059, %select_n3A_1024 : i32
        %sub3A_1061 = arith.subi %add3A_1058, %mul3A_1060 : i32
        %jit3A_1062 = arith.constant 512 : i32
        %select_n3A_1063 = arith.select %gt3A_1054, %jit3A_1062, %sub3A_1061 : i32
        %jit3A_1064 = arith.constant 0 : i32
        %jit3A_1065 = arith.constant 256 : i32
        %select_n3A_1066 = arith.select %gt3A_1054, %jit3A_1064, %jit3A_1065 : i32
        %gt3A_1067 = arith.constant 3 : i32
        %gt3A_1068 = arith.cmpi sgt, %select_n3A_1024, %gt3A_1067 : i32
        %add3A_1069 = arith.constant 512 : i32
        %add3A_1070 = arith.addi %mul3A_1000, %add3A_1069 : i32
        %add3A_1071 = arith.constant 768 : i32
        %add3A_1072 = arith.addi %add3A_1070, %add3A_1071 : i32
        %mul3A_1073 = arith.constant 256 : i32
        %mul3A_1074 = arith.muli %mul3A_1073, %select_n3A_1024 : i32
        %sub3A_1075 = arith.subi %add3A_1072, %mul3A_1074 : i32
        %jit3A_1076 = arith.constant 768 : i32
        %select_n3A_1077 = arith.select %gt3A_1068, %jit3A_1076, %sub3A_1075 : i32
        %jit3A_1078 = arith.constant 0 : i32
        %jit3A_1079 = arith.constant 256 : i32
        %select_n3A_1080 = arith.select %gt3A_1068, %jit3A_1078, %jit3A_1079 : i32
        %gt3A_1081 = arith.constant 4 : i32
        %gt3A_1082 = arith.cmpi sgt, %select_n3A_1024, %gt3A_1081 : i32
        %add3A_1083 = arith.constant 512 : i32
        %add3A_1084 = arith.addi %mul3A_1000, %add3A_1083 : i32
        %add3A_1085 = arith.constant 1024 : i32
        %add3A_1086 = arith.addi %add3A_1084, %add3A_1085 : i32
        %mul3A_1087 = arith.constant 256 : i32
        %mul3A_1088 = arith.muli %mul3A_1087, %select_n3A_1024 : i32
        %sub3A_1089 = arith.subi %add3A_1086, %mul3A_1088 : i32
        %jit3A_1090 = arith.constant 1024 : i32
        %select_n3A_1091 = arith.select %gt3A_1082, %jit3A_1090, %sub3A_1089 : i32
        %jit3A_1092 = arith.constant 0 : i32
        %jit3A_1093 = arith.constant 256 : i32
        %select_n3A_1094 = arith.select %gt3A_1082, %jit3A_1092, %jit3A_1093 : i32
        %gt3A_1095 = arith.constant 5 : i32
        %gt3A_1096 = arith.cmpi sgt, %select_n3A_1024, %gt3A_1095 : i32
        %add3A_1097 = arith.constant 512 : i32
        %add3A_1098 = arith.addi %mul3A_1000, %add3A_1097 : i32
        %add3A_1099 = arith.constant 1280 : i32
        %add3A_1100 = arith.addi %add3A_1098, %add3A_1099 : i32
        %mul3A_1101 = arith.constant 256 : i32
        %mul3A_1102 = arith.muli %mul3A_1101, %select_n3A_1024 : i32
        %sub3A_1103 = arith.subi %add3A_1100, %mul3A_1102 : i32
        %jit3A_1104 = arith.constant 1280 : i32
        %select_n3A_1105 = arith.select %gt3A_1096, %jit3A_1104, %sub3A_1103 : i32
        %jit3A_1106 = arith.constant 0 : i32
        %jit3A_1107 = arith.constant 256 : i32
        %select_n3A_1108 = arith.select %gt3A_1096, %jit3A_1106, %jit3A_1107 : i32
        %dma_wait3A_1109 = arith.constant 0 : i32
        %dma_wait3A_1110 = arith.constant 0 : i32
        %dma_wait3A_1111 = tpu.memref_slice %arg7[%rem3A_968, %dma_wait3A_1109, %dma_wait3A_1110] : memref<3x8x512xf32, #tpu.memory_space<vmem>> -> memref<1x8x512xf32, #tpu.memory_space<vmem>>
        %dma_wait3A_1112 = tpu.memref_squeeze %dma_wait3A_1111 : memref<1x8x512xf32, #tpu.memory_space<vmem>> -> memref<8x512xf32, #tpu.memory_space<vmem>>
        %dma_wait3A_1113 = tpu.memref_slice %arg3[%sub3A_964, %mul3A_34, %mul3A_1000] : memref<2048x64x2048xf32, #tpu.memory_space<hbm>> -> memref<1x8x512xf32, #tpu.memory_space<hbm>>
        %dma_wait3A_1114 = tpu.memref_squeeze %dma_wait3A_1113 : memref<1x8x512xf32, #tpu.memory_space<hbm>> -> memref<8x512xf32, #tpu.memory_space<hbm>>
        %dma_wait3A_1115 = tpu.memref_slice %arg3[%sub3A_964, %mul3A_34, %mul3A_1000] : memref<2048x64x2048xf32, #tpu.memory_space<hbm>> -> memref<1x8x512xf32, #tpu.memory_space<hbm>>
        %dma_wait3A_1116 = tpu.memref_squeeze %dma_wait3A_1115 : memref<1x8x512xf32, #tpu.memory_space<hbm>> -> memref<8x512xf32, #tpu.memory_space<hbm>>
        %dma_wait3A_1117 = arith.constant 0 : i32
        %dma_wait3A_1118 = arith.constant 0 : i32
        %dma_wait3A_1119 = tpu.memref_slice %arg7[%rem3A_968, %dma_wait3A_1117, %dma_wait3A_1118] : memref<3x8x512xf32, #tpu.memory_space<vmem>> -> memref<1x8x512xf32, #tpu.memory_space<vmem>>
        %dma_wait3A_1120 = tpu.memref_squeeze %dma_wait3A_1119 : memref<1x8x512xf32, #tpu.memory_space<vmem>> -> memref<8x512xf32, #tpu.memory_space<vmem>>
        tpu.wait_dma2 semaphore(%arg8 : memref<!tpu.dma_semaphore, #tpu.memory_space<semaphore_mem>>) src(%dma_wait3A_1120 : memref<8x512xf32, #tpu.memory_space<vmem>>) dst(%dma_wait3A_1116 : memref<8x512xf32, #tpu.memory_space<hbm>>)
        %dma_wait3A_1121 = arith.constant 0 : i32
        %dma_wait3A_1122 = tpu.memref_slice %arg6[%dma_wait3A_1121, %select_n3A_1038] : memref<8x512xf32, #tpu.memory_space<vmem>> -> memref<8x256xf32, #tpu.memory_space<vmem>>
        %dma_wait3A_1123 = tpu.memref_slice %arg3[%sub3A_964, %mul3A_34, %select_n3A_1035] : memref<2048x64x2048xf32, #tpu.memory_space<hbm>> -> memref<1x8x256xf32, #tpu.memory_space<hbm>>
        %dma_wait3A_1124 = tpu.memref_squeeze %dma_wait3A_1123 : memref<1x8x256xf32, #tpu.memory_space<hbm>> -> memref<8x256xf32, #tpu.memory_space<hbm>>
        %dma_wait3A_1125 = tpu.memref_slice %arg3[%sub3A_964, %mul3A_34, %select_n3A_1035] : memref<2048x64x2048xf32, #tpu.memory_space<hbm>> -> memref<1x8x256xf32, #tpu.memory_space<hbm>>
        %dma_wait3A_1126 = tpu.memref_squeeze %dma_wait3A_1125 : memref<1x8x256xf32, #tpu.memory_space<hbm>> -> memref<8x256xf32, #tpu.memory_space<hbm>>
        %dma_wait3A_1127 = arith.constant 0 : i32
        %dma_wait3A_1128 = tpu.memref_slice %arg6[%dma_wait3A_1127, %select_n3A_1038] : memref<8x512xf32, #tpu.memory_space<vmem>> -> memref<8x256xf32, #tpu.memory_space<vmem>>
        tpu.wait_dma2 semaphore(%arg8 : memref<!tpu.dma_semaphore, #tpu.memory_space<semaphore_mem>>) src(%dma_wait3A_1128 : memref<8x256xf32, #tpu.memory_space<vmem>>) dst(%dma_wait3A_1126 : memref<8x256xf32, #tpu.memory_space<hbm>>)
        %dma_wait3A_1129 = arith.constant 0 : i32
        %dma_wait3A_1130 = tpu.memref_slice %arg6[%dma_wait3A_1129, %select_n3A_1052] : memref<8x512xf32, #tpu.memory_space<vmem>> -> memref<8x256xf32, #tpu.memory_space<vmem>>
        %dma_wait3A_1131 = tpu.memref_slice %arg3[%sub3A_964, %mul3A_34, %select_n3A_1049] : memref<2048x64x2048xf32, #tpu.memory_space<hbm>> -> memref<1x8x256xf32, #tpu.memory_space<hbm>>
        %dma_wait3A_1132 = tpu.memref_squeeze %dma_wait3A_1131 : memref<1x8x256xf32, #tpu.memory_space<hbm>> -> memref<8x256xf32, #tpu.memory_space<hbm>>
        %dma_wait3A_1133 = tpu.memref_slice %arg3[%sub3A_964, %mul3A_34, %select_n3A_1049] : memref<2048x64x2048xf32, #tpu.memory_space<hbm>> -> memref<1x8x256xf32, #tpu.memory_space<hbm>>
        %dma_wait3A_1134 = tpu.memref_squeeze %dma_wait3A_1133 : memref<1x8x256xf32, #tpu.memory_space<hbm>> -> memref<8x256xf32, #tpu.memory_space<hbm>>
        %dma_wait3A_1135 = arith.constant 0 : i32
        %dma_wait3A_1136 = tpu.memref_slice %arg6[%dma_wait3A_1135, %select_n3A_1052] : memref<8x512xf32, #tpu.memory_space<vmem>> -> memref<8x256xf32, #tpu.memory_space<vmem>>
        tpu.wait_dma2 semaphore(%arg8 : memref<!tpu.dma_semaphore, #tpu.memory_space<semaphore_mem>>) src(%dma_wait3A_1136 : memref<8x256xf32, #tpu.memory_space<vmem>>) dst(%dma_wait3A_1134 : memref<8x256xf32, #tpu.memory_space<hbm>>)
        %dma_wait3A_1137 = arith.constant 0 : i32
        %dma_wait3A_1138 = tpu.memref_slice %arg6[%dma_wait3A_1137, %select_n3A_1066] : memref<8x512xf32, #tpu.memory_space<vmem>> -> memref<8x256xf32, #tpu.memory_space<vmem>>
        %dma_wait3A_1139 = tpu.memref_slice %arg3[%sub3A_964, %mul3A_34, %select_n3A_1063] : memref<2048x64x2048xf32, #tpu.memory_space<hbm>> -> memref<1x8x256xf32, #tpu.memory_space<hbm>>
        %dma_wait3A_1140 = tpu.memref_squeeze %dma_wait3A_1139 : memref<1x8x256xf32, #tpu.memory_space<hbm>> -> memref<8x256xf32, #tpu.memory_space<hbm>>
        %dma_wait3A_1141 = tpu.memref_slice %arg3[%sub3A_964, %mul3A_34, %select_n3A_1063] : memref<2048x64x2048xf32, #tpu.memory_space<hbm>> -> memref<1x8x256xf32, #tpu.memory_space<hbm>>
        %dma_wait3A_1142 = tpu.memref_squeeze %dma_wait3A_1141 : memref<1x8x256xf32, #tpu.memory_space<hbm>> -> memref<8x256xf32, #tpu.memory_space<hbm>>
        %dma_wait3A_1143 = arith.constant 0 : i32
        %dma_wait3A_1144 = tpu.memref_slice %arg6[%dma_wait3A_1143, %select_n3A_1066] : memref<8x512xf32, #tpu.memory_space<vmem>> -> memref<8x256xf32, #tpu.memory_space<vmem>>
        tpu.wait_dma2 semaphore(%arg8 : memref<!tpu.dma_semaphore, #tpu.memory_space<semaphore_mem>>) src(%dma_wait3A_1144 : memref<8x256xf32, #tpu.memory_space<vmem>>) dst(%dma_wait3A_1142 : memref<8x256xf32, #tpu.memory_space<hbm>>)
        %dma_wait3A_1145 = arith.constant 0 : i32
        %dma_wait3A_1146 = tpu.memref_slice %arg6[%dma_wait3A_1145, %select_n3A_1080] : memref<8x512xf32, #tpu.memory_space<vmem>> -> memref<8x256xf32, #tpu.memory_space<vmem>>
        %dma_wait3A_1147 = tpu.memref_slice %arg3[%sub3A_964, %mul3A_34, %select_n3A_1077] : memref<2048x64x2048xf32, #tpu.memory_space<hbm>> -> memref<1x8x256xf32, #tpu.memory_space<hbm>>
        %dma_wait3A_1148 = tpu.memref_squeeze %dma_wait3A_1147 : memref<1x8x256xf32, #tpu.memory_space<hbm>> -> memref<8x256xf32, #tpu.memory_space<hbm>>
        %dma_wait3A_1149 = tpu.memref_slice %arg3[%sub3A_964, %mul3A_34, %select_n3A_1077] : memref<2048x64x2048xf32, #tpu.memory_space<hbm>> -> memref<1x8x256xf32, #tpu.memory_space<hbm>>
        %dma_wait3A_1150 = tpu.memref_squeeze %dma_wait3A_1149 : memref<1x8x256xf32, #tpu.memory_space<hbm>> -> memref<8x256xf32, #tpu.memory_space<hbm>>
        %dma_wait3A_1151 = arith.constant 0 : i32
        %dma_wait3A_1152 = tpu.memref_slice %arg6[%dma_wait3A_1151, %select_n3A_1080] : memref<8x512xf32, #tpu.memory_space<vmem>> -> memref<8x256xf32, #tpu.memory_space<vmem>>
        tpu.wait_dma2 semaphore(%arg8 : memref<!tpu.dma_semaphore, #tpu.memory_space<semaphore_mem>>) src(%dma_wait3A_1152 : memref<8x256xf32, #tpu.memory_space<vmem>>) dst(%dma_wait3A_1150 : memref<8x256xf32, #tpu.memory_space<hbm>>)
        %dma_wait3A_1153 = arith.constant 0 : i32
        %dma_wait3A_1154 = tpu.memref_slice %arg6[%dma_wait3A_1153, %select_n3A_1094] : memref<8x512xf32, #tpu.memory_space<vmem>> -> memref<8x256xf32, #tpu.memory_space<vmem>>
        %dma_wait3A_1155 = tpu.memref_slice %arg3[%sub3A_964, %mul3A_34, %select_n3A_1091] : memref<2048x64x2048xf32, #tpu.memory_space<hbm>> -> memref<1x8x256xf32, #tpu.memory_space<hbm>>
        %dma_wait3A_1156 = tpu.memref_squeeze %dma_wait3A_1155 : memref<1x8x256xf32, #tpu.memory_space<hbm>> -> memref<8x256xf32, #tpu.memory_space<hbm>>
        %dma_wait3A_1157 = tpu.memref_slice %arg3[%sub3A_964, %mul3A_34, %select_n3A_1091] : memref<2048x64x2048xf32, #tpu.memory_space<hbm>> -> memref<1x8x256xf32, #tpu.memory_space<hbm>>
        %dma_wait3A_1158 = tpu.memref_squeeze %dma_wait3A_1157 : memref<1x8x256xf32, #tpu.memory_space<hbm>> -> memref<8x256xf32, #tpu.memory_space<hbm>>
        %dma_wait3A_1159 = arith.constant 0 : i32
        %dma_wait3A_1160 = tpu.memref_slice %arg6[%dma_wait3A_1159, %select_n3A_1094] : memref<8x512xf32, #tpu.memory_space<vmem>> -> memref<8x256xf32, #tpu.memory_space<vmem>>
        tpu.wait_dma2 semaphore(%arg8 : memref<!tpu.dma_semaphore, #tpu.memory_space<semaphore_mem>>) src(%dma_wait3A_1160 : memref<8x256xf32, #tpu.memory_space<vmem>>) dst(%dma_wait3A_1158 : memref<8x256xf32, #tpu.memory_space<hbm>>)
        %dma_wait3A_1161 = arith.constant 0 : i32
        %dma_wait3A_1162 = tpu.memref_slice %arg6[%dma_wait3A_1161, %select_n3A_1108] : memref<8x512xf32, #tpu.memory_space<vmem>> -> memref<8x256xf32, #tpu.memory_space<vmem>>
        %dma_wait3A_1163 = tpu.memref_slice %arg3[%sub3A_964, %mul3A_34, %select_n3A_1105] : memref<2048x64x2048xf32, #tpu.memory_space<hbm>> -> memref<1x8x256xf32, #tpu.memory_space<hbm>>
        %dma_wait3A_1164 = tpu.memref_squeeze %dma_wait3A_1163 : memref<1x8x256xf32, #tpu.memory_space<hbm>> -> memref<8x256xf32, #tpu.memory_space<hbm>>
        %dma_wait3A_1165 = tpu.memref_slice %arg3[%sub3A_964, %mul3A_34, %select_n3A_1105] : memref<2048x64x2048xf32, #tpu.memory_space<hbm>> -> memref<1x8x256xf32, #tpu.memory_space<hbm>>
        %dma_wait3A_1166 = tpu.memref_squeeze %dma_wait3A_1165 : memref<1x8x256xf32, #tpu.memory_space<hbm>> -> memref<8x256xf32, #tpu.memory_space<hbm>>
        %dma_wait3A_1167 = arith.constant 0 : i32
        %dma_wait3A_1168 = tpu.memref_slice %arg6[%dma_wait3A_1167, %select_n3A_1108] : memref<8x512xf32, #tpu.memory_space<vmem>> -> memref<8x256xf32, #tpu.memory_space<vmem>>
        tpu.wait_dma2 semaphore(%arg8 : memref<!tpu.dma_semaphore, #tpu.memory_space<semaphore_mem>>) src(%dma_wait3A_1168 : memref<8x256xf32, #tpu.memory_space<vmem>>) dst(%dma_wait3A_1166 : memref<8x256xf32, #tpu.memory_space<hbm>>)
      } else {
      }
    }
    %scan3A_309 = arith.constant 512 : i32
    %add3A_310 = arith.constant 510 : i32
    %add3A_311 = arith.addi %mul3A_32, %add3A_310 : i32
    %rem3A_312 = arith.constant 510 : i32
    %rem3A_313 = arith.constant 3 : i32
    %rem3A_314 = arith.remsi %rem3A_312, %rem3A_313 : i32
    %sub3A_315 = arith.constant 128 : i32
    %sub3A_316 = arith.subi %add3A_311, %sub3A_315 : i32
    %jit3A_317 = arith.constant 0 : i32
    %jit3A_318 = arith.constant 1536 : i32
    %max3A = arith.maxsi %jit3A_317, %sub3A_316 : i32
    %min3A = arith.minsi %jit3A_318, %max3A : i32
    %jit3A_319 = arith.constant 256 : i32
    %div3A_320 = arith.divsi %min3A, %jit3A_319 : i32
    %sign3A_321 = arith.constant 0 : i32
    %sign3A_322 = arith.cmpi sgt, %min3A, %sign3A_321 : i32
    %sign3A_323 = arith.extui %sign3A_322 : i1 to i32
    %sign3A_324 = arith.constant 0 : i32
    %sign3A_325 = arith.cmpi slt, %min3A, %sign3A_324 : i32
    %sign3A_326 = arith.extui %sign3A_325 : i1 to i32
    %sign3A_327 = arith.subi %sign3A_323, %sign3A_326 : i32
    %sign3A_328 = arith.constant 0 : i32
    %sign3A_329 = arith.cmpi sgt, %jit3A_319, %sign3A_328 : i32
    %sign3A_330 = arith.extui %sign3A_329 : i1 to i32
    %sign3A_331 = arith.constant 0 : i32
    %sign3A_332 = arith.cmpi slt, %jit3A_319, %sign3A_331 : i32
    %sign3A_333 = arith.extui %sign3A_332 : i1 to i32
    %sign3A_334 = arith.subi %sign3A_330, %sign3A_333 : i32
    %ne3A_335 = arith.cmpi ne, %sign3A_327, %sign3A_334 : i32
    %rem3A_336 = arith.remsi %min3A, %jit3A_319 : i32
    %ne3A_337 = arith.constant 0 : i32
    %ne3A_338 = arith.cmpi ne, %rem3A_336, %ne3A_337 : i32
    %and3A_339 = arith.andi %ne3A_335, %ne3A_338 : i1
    %sub3A_340 = arith.constant 1 : i32
    %sub3A_341 = arith.subi %div3A_320, %sub3A_340 : i32
    %select_n3A_342 = arith.select %and3A_339, %sub3A_341, %div3A_320 : i32
    %mul3A_343 = arith.constant 256 : i32
    %mul3A_344 = arith.muli %select_n3A_342, %mul3A_343 : i32
    %jit3A_345 = arith.constant 256 : i32
    %div3A_346 = arith.divsi %mul3A_344, %jit3A_345 : i32
    %sign3A_347 = arith.constant 0 : i32
    %sign3A_348 = arith.cmpi sgt, %mul3A_344, %sign3A_347 : i32
    %sign3A_349 = arith.extui %sign3A_348 : i1 to i32
    %sign3A_350 = arith.constant 0 : i32
    %sign3A_351 = arith.cmpi slt, %mul3A_344, %sign3A_350 : i32
    %sign3A_352 = arith.extui %sign3A_351 : i1 to i32
    %sign3A_353 = arith.subi %sign3A_349, %sign3A_352 : i32
    %sign3A_354 = arith.constant 0 : i32
    %sign3A_355 = arith.cmpi sgt, %jit3A_345, %sign3A_354 : i32
    %sign3A_356 = arith.extui %sign3A_355 : i1 to i32
    %sign3A_357 = arith.constant 0 : i32
    %sign3A_358 = arith.cmpi slt, %jit3A_345, %sign3A_357 : i32
    %sign3A_359 = arith.extui %sign3A_358 : i1 to i32
    %sign3A_360 = arith.subi %sign3A_356, %sign3A_359 : i32
    %ne3A_361 = arith.cmpi ne, %sign3A_353, %sign3A_360 : i32
    %rem3A_362 = arith.remsi %mul3A_344, %jit3A_345 : i32
    %ne3A_363 = arith.constant 0 : i32
    %ne3A_364 = arith.cmpi ne, %rem3A_362, %ne3A_363 : i32
    %and3A_365 = arith.andi %ne3A_361, %ne3A_364 : i1
    %sub3A_366 = arith.constant 1 : i32
    %sub3A_367 = arith.subi %div3A_346, %sub3A_366 : i32
    %select_n3A_368 = arith.select %and3A_365, %sub3A_367, %div3A_346 : i32
    %gt3A = arith.constant 0 : i32
    %gt3A_369 = arith.cmpi sgt, %select_n3A_368, %gt3A : i32
    %add3A_370 = arith.constant 512 : i32
    %add3A_371 = arith.addi %mul3A_344, %add3A_370 : i32
    %add3A_372 = arith.constant 0 : i32
    %add3A_373 = arith.addi %add3A_371, %add3A_372 : i32
    %mul3A_374 = arith.constant 256 : i32
    %mul3A_375 = arith.muli %mul3A_374, %select_n3A_368 : i32
    %sub3A_376 = arith.subi %add3A_373, %mul3A_375 : i32
    %jit3A_377 = arith.constant 0 : i32
    %select_n3A_378 = arith.select %gt3A_369, %jit3A_377, %sub3A_376 : i32
    %jit3A_379 = arith.constant 0 : i32
    %jit3A_380 = arith.constant 256 : i32
    %select_n3A_381 = arith.select %gt3A_369, %jit3A_379, %jit3A_380 : i32
    %gt3A_382 = arith.constant 1 : i32
    %gt3A_383 = arith.cmpi sgt, %select_n3A_368, %gt3A_382 : i32
    %add3A_384 = arith.constant 512 : i32
    %add3A_385 = arith.addi %mul3A_344, %add3A_384 : i32
    %add3A_386 = arith.constant 256 : i32
    %add3A_387 = arith.addi %add3A_385, %add3A_386 : i32
    %mul3A_388 = arith.constant 256 : i32
    %mul3A_389 = arith.muli %mul3A_388, %select_n3A_368 : i32
    %sub3A_390 = arith.subi %add3A_387, %mul3A_389 : i32
    %jit3A_391 = arith.constant 256 : i32
    %select_n3A_392 = arith.select %gt3A_383, %jit3A_391, %sub3A_390 : i32
    %jit3A_393 = arith.constant 0 : i32
    %jit3A_394 = arith.constant 256 : i32
    %select_n3A_395 = arith.select %gt3A_383, %jit3A_393, %jit3A_394 : i32
    %gt3A_396 = arith.constant 2 : i32
    %gt3A_397 = arith.cmpi sgt, %select_n3A_368, %gt3A_396 : i32
    %add3A_398 = arith.constant 512 : i32
    %add3A_399 = arith.addi %mul3A_344, %add3A_398 : i32
    %add3A_400 = arith.constant 512 : i32
    %add3A_401 = arith.addi %add3A_399, %add3A_400 : i32
    %mul3A_402 = arith.constant 256 : i32
    %mul3A_403 = arith.muli %mul3A_402, %select_n3A_368 : i32
    %sub3A_404 = arith.subi %add3A_401, %mul3A_403 : i32
    %jit3A_405 = arith.constant 512 : i32
    %select_n3A_406 = arith.select %gt3A_397, %jit3A_405, %sub3A_404 : i32
    %jit3A_407 = arith.constant 0 : i32
    %jit3A_408 = arith.constant 256 : i32
    %select_n3A_409 = arith.select %gt3A_397, %jit3A_407, %jit3A_408 : i32
    %gt3A_410 = arith.constant 3 : i32
    %gt3A_411 = arith.cmpi sgt, %select_n3A_368, %gt3A_410 : i32
    %add3A_412 = arith.constant 512 : i32
    %add3A_413 = arith.addi %mul3A_344, %add3A_412 : i32
    %add3A_414 = arith.constant 768 : i32
    %add3A_415 = arith.addi %add3A_413, %add3A_414 : i32
    %mul3A_416 = arith.constant 256 : i32
    %mul3A_417 = arith.muli %mul3A_416, %select_n3A_368 : i32
    %sub3A_418 = arith.subi %add3A_415, %mul3A_417 : i32
    %jit3A_419 = arith.constant 768 : i32
    %select_n3A_420 = arith.select %gt3A_411, %jit3A_419, %sub3A_418 : i32
    %jit3A_421 = arith.constant 0 : i32
    %jit3A_422 = arith.constant 256 : i32
    %select_n3A_423 = arith.select %gt3A_411, %jit3A_421, %jit3A_422 : i32
    %gt3A_424 = arith.constant 4 : i32
    %gt3A_425 = arith.cmpi sgt, %select_n3A_368, %gt3A_424 : i32
    %add3A_426 = arith.constant 512 : i32
    %add3A_427 = arith.addi %mul3A_344, %add3A_426 : i32
    %add3A_428 = arith.constant 1024 : i32
    %add3A_429 = arith.addi %add3A_427, %add3A_428 : i32
    %mul3A_430 = arith.constant 256 : i32
    %mul3A_431 = arith.muli %mul3A_430, %select_n3A_368 : i32
    %sub3A_432 = arith.subi %add3A_429, %mul3A_431 : i32
    %jit3A_433 = arith.constant 1024 : i32
    %select_n3A_434 = arith.select %gt3A_425, %jit3A_433, %sub3A_432 : i32
    %jit3A_435 = arith.constant 0 : i32
    %jit3A_436 = arith.constant 256 : i32
    %select_n3A_437 = arith.select %gt3A_425, %jit3A_435, %jit3A_436 : i32
    %gt3A_438 = arith.constant 5 : i32
    %gt3A_439 = arith.cmpi sgt, %select_n3A_368, %gt3A_438 : i32
    %add3A_440 = arith.constant 512 : i32
    %add3A_441 = arith.addi %mul3A_344, %add3A_440 : i32
    %add3A_442 = arith.constant 1280 : i32
    %add3A_443 = arith.addi %add3A_441, %add3A_442 : i32
    %mul3A_444 = arith.constant 256 : i32
    %mul3A_445 = arith.muli %mul3A_444, %select_n3A_368 : i32
    %sub3A_446 = arith.subi %add3A_443, %mul3A_445 : i32
    %jit3A_447 = arith.constant 1280 : i32
    %select_n3A_448 = arith.select %gt3A_439, %jit3A_447, %sub3A_446 : i32
    %jit3A_449 = arith.constant 0 : i32
    %jit3A_450 = arith.constant 256 : i32
    %select_n3A_451 = arith.select %gt3A_439, %jit3A_449, %jit3A_450 : i32
    %dma_wait3A = arith.constant 0 : i32
    %dma_wait3A_452 = arith.constant 0 : i32
    %dma_wait3A_453 = tpu.memref_slice %arg7[%rem3A_314, %dma_wait3A, %dma_wait3A_452] : memref<3x8x512xf32, #tpu.memory_space<vmem>> -> memref<1x8x512xf32, #tpu.memory_space<vmem>>
    %dma_wait3A_454 = tpu.memref_squeeze %dma_wait3A_453 : memref<1x8x512xf32, #tpu.memory_space<vmem>> -> memref<8x512xf32, #tpu.memory_space<vmem>>
    %dma_wait3A_455 = tpu.memref_slice %arg3[%add3A_311, %mul3A_34, %mul3A_344] : memref<2048x64x2048xf32, #tpu.memory_space<hbm>> -> memref<1x8x512xf32, #tpu.memory_space<hbm>>
    %dma_wait3A_456 = tpu.memref_squeeze %dma_wait3A_455 : memref<1x8x512xf32, #tpu.memory_space<hbm>> -> memref<8x512xf32, #tpu.memory_space<hbm>>
    %dma_wait3A_457 = tpu.memref_slice %arg3[%add3A_311, %mul3A_34, %mul3A_344] : memref<2048x64x2048xf32, #tpu.memory_space<hbm>> -> memref<1x8x512xf32, #tpu.memory_space<hbm>>
    %dma_wait3A_458 = tpu.memref_squeeze %dma_wait3A_457 : memref<1x8x512xf32, #tpu.memory_space<hbm>> -> memref<8x512xf32, #tpu.memory_space<hbm>>
    %dma_wait3A_459 = arith.constant 0 : i32
    %dma_wait3A_460 = arith.constant 0 : i32
    %dma_wait3A_461 = tpu.memref_slice %arg7[%rem3A_314, %dma_wait3A_459, %dma_wait3A_460] : memref<3x8x512xf32, #tpu.memory_space<vmem>> -> memref<1x8x512xf32, #tpu.memory_space<vmem>>
    %dma_wait3A_462 = tpu.memref_squeeze %dma_wait3A_461 : memref<1x8x512xf32, #tpu.memory_space<vmem>> -> memref<8x512xf32, #tpu.memory_space<vmem>>
    tpu.wait_dma2 semaphore(%arg8 : memref<!tpu.dma_semaphore, #tpu.memory_space<semaphore_mem>>) src(%dma_wait3A_462 : memref<8x512xf32, #tpu.memory_space<vmem>>) dst(%dma_wait3A_458 : memref<8x512xf32, #tpu.memory_space<hbm>>)
    %dma_wait3A_463 = arith.constant 0 : i32
    %dma_wait3A_464 = tpu.memref_slice %arg6[%dma_wait3A_463, %select_n3A_381] : memref<8x512xf32, #tpu.memory_space<vmem>> -> memref<8x256xf32, #tpu.memory_space<vmem>>
    %dma_wait3A_465 = tpu.memref_slice %arg3[%add3A_311, %mul3A_34, %select_n3A_378] : memref<2048x64x2048xf32, #tpu.memory_space<hbm>> -> memref<1x8x256xf32, #tpu.memory_space<hbm>>
    %dma_wait3A_466 = tpu.memref_squeeze %dma_wait3A_465 : memref<1x8x256xf32, #tpu.memory_space<hbm>> -> memref<8x256xf32, #tpu.memory_space<hbm>>
    %dma_wait3A_467 = tpu.memref_slice %arg3[%add3A_311, %mul3A_34, %select_n3A_378] : memref<2048x64x2048xf32, #tpu.memory_space<hbm>> -> memref<1x8x256xf32, #tpu.memory_space<hbm>>
    %dma_wait3A_468 = tpu.memref_squeeze %dma_wait3A_467 : memref<1x8x256xf32, #tpu.memory_space<hbm>> -> memref<8x256xf32, #tpu.memory_space<hbm>>
    %dma_wait3A_469 = arith.constant 0 : i32
    %dma_wait3A_470 = tpu.memref_slice %arg6[%dma_wait3A_469, %select_n3A_381] : memref<8x512xf32, #tpu.memory_space<vmem>> -> memref<8x256xf32, #tpu.memory_space<vmem>>
    tpu.wait_dma2 semaphore(%arg8 : memref<!tpu.dma_semaphore, #tpu.memory_space<semaphore_mem>>) src(%dma_wait3A_470 : memref<8x256xf32, #tpu.memory_space<vmem>>) dst(%dma_wait3A_468 : memref<8x256xf32, #tpu.memory_space<hbm>>)
    %dma_wait3A_471 = arith.constant 0 : i32
    %dma_wait3A_472 = tpu.memref_slice %arg6[%dma_wait3A_471, %select_n3A_395] : memref<8x512xf32, #tpu.memory_space<vmem>> -> memref<8x256xf32, #tpu.memory_space<vmem>>
    %dma_wait3A_473 = tpu.memref_slice %arg3[%add3A_311, %mul3A_34, %select_n3A_392] : memref<2048x64x2048xf32, #tpu.memory_space<hbm>> -> memref<1x8x256xf32, #tpu.memory_space<hbm>>
    %dma_wait3A_474 = tpu.memref_squeeze %dma_wait3A_473 : memref<1x8x256xf32, #tpu.memory_space<hbm>> -> memref<8x256xf32, #tpu.memory_space<hbm>>
    %dma_wait3A_475 = tpu.memref_slice %arg3[%add3A_311, %mul3A_34, %select_n3A_392] : memref<2048x64x2048xf32, #tpu.memory_space<hbm>> -> memref<1x8x256xf32, #tpu.memory_space<hbm>>
    %dma_wait3A_476 = tpu.memref_squeeze %dma_wait3A_475 : memref<1x8x256xf32, #tpu.memory_space<hbm>> -> memref<8x256xf32, #tpu.memory_space<hbm>>
    %dma_wait3A_477 = arith.constant 0 : i32
    %dma_wait3A_478 = tpu.memref_slice %arg6[%dma_wait3A_477, %select_n3A_395] : memref<8x512xf32, #tpu.memory_space<vmem>> -> memref<8x256xf32, #tpu.memory_space<vmem>>
    tpu.wait_dma2 semaphore(%arg8 : memref<!tpu.dma_semaphore, #tpu.memory_space<semaphore_mem>>) src(%dma_wait3A_478 : memref<8x256xf32, #tpu.memory_space<vmem>>) dst(%dma_wait3A_476 : memref<8x256xf32, #tpu.memory_space<hbm>>)
    %dma_wait3A_479 = arith.constant 0 : i32
    %dma_wait3A_480 = tpu.memref_slice %arg6[%dma_wait3A_479, %select_n3A_409] : memref<8x512xf32, #tpu.memory_space<vmem>> -> memref<8x256xf32, #tpu.memory_space<vmem>>
    %dma_wait3A_481 = tpu.memref_slice %arg3[%add3A_311, %mul3A_34, %select_n3A_406] : memref<2048x64x2048xf32, #tpu.memory_space<hbm>> -> memref<1x8x256xf32, #tpu.memory_space<hbm>>
    %dma_wait3A_482 = tpu.memref_squeeze %dma_wait3A_481 : memref<1x8x256xf32, #tpu.memory_space<hbm>> -> memref<8x256xf32, #tpu.memory_space<hbm>>
    %dma_wait3A_483 = tpu.memref_slice %arg3[%add3A_311, %mul3A_34, %select_n3A_406] : memref<2048x64x2048xf32, #tpu.memory_space<hbm>> -> memref<1x8x256xf32, #tpu.memory_space<hbm>>
    %dma_wait3A_484 = tpu.memref_squeeze %dma_wait3A_483 : memref<1x8x256xf32, #tpu.memory_space<hbm>> -> memref<8x256xf32, #tpu.memory_space<hbm>>
    %dma_wait3A_485 = arith.constant 0 : i32
    %dma_wait3A_486 = tpu.memref_slice %arg6[%dma_wait3A_485, %select_n3A_409] : memref<8x512xf32, #tpu.memory_space<vmem>> -> memref<8x256xf32, #tpu.memory_space<vmem>>
    tpu.wait_dma2 semaphore(%arg8 : memref<!tpu.dma_semaphore, #tpu.memory_space<semaphore_mem>>) src(%dma_wait3A_486 : memref<8x256xf32, #tpu.memory_space<vmem>>) dst(%dma_wait3A_484 : memref<8x256xf32, #tpu.memory_space<hbm>>)
    %dma_wait3A_487 = arith.constant 0 : i32
    %dma_wait3A_488 = tpu.memref_slice %arg6[%dma_wait3A_487, %select_n3A_423] : memref<8x512xf32, #tpu.memory_space<vmem>> -> memref<8x256xf32, #tpu.memory_space<vmem>>
    %dma_wait3A_489 = tpu.memref_slice %arg3[%add3A_311, %mul3A_34, %select_n3A_420] : memref<2048x64x2048xf32, #tpu.memory_space<hbm>> -> memref<1x8x256xf32, #tpu.memory_space<hbm>>
    %dma_wait3A_490 = tpu.memref_squeeze %dma_wait3A_489 : memref<1x8x256xf32, #tpu.memory_space<hbm>> -> memref<8x256xf32, #tpu.memory_space<hbm>>
    %dma_wait3A_491 = tpu.memref_slice %arg3[%add3A_311, %mul3A_34, %select_n3A_420] : memref<2048x64x2048xf32, #tpu.memory_space<hbm>> -> memref<1x8x256xf32, #tpu.memory_space<hbm>>
    %dma_wait3A_492 = tpu.memref_squeeze %dma_wait3A_491 : memref<1x8x256xf32, #tpu.memory_space<hbm>> -> memref<8x256xf32, #tpu.memory_space<hbm>>
    %dma_wait3A_493 = arith.constant 0 : i32
    %dma_wait3A_494 = tpu.memref_slice %arg6[%dma_wait3A_493, %select_n3A_423] : memref<8x512xf32, #tpu.memory_space<vmem>> -> memref<8x256xf32, #tpu.memory_space<vmem>>
    tpu.wait_dma2 semaphore(%arg8 : memref<!tpu.dma_semaphore, #tpu.memory_space<semaphore_mem>>) src(%dma_wait3A_494 : memref<8x256xf32, #tpu.memory_space<vmem>>) dst(%dma_wait3A_492 : memref<8x256xf32, #tpu.memory_space<hbm>>)
    %dma_wait3A_495 = arith.constant 0 : i32
    %dma_wait3A_496 = tpu.memref_slice %arg6[%dma_wait3A_495, %select_n3A_437] : memref<8x512xf32, #tpu.memory_space<vmem>> -> memref<8x256xf32, #tpu.memory_space<vmem>>
    %dma_wait3A_497 = tpu.memref_slice %arg3[%add3A_311, %mul3A_34, %select_n3A_434] : memref<2048x64x2048xf32, #tpu.memory_space<hbm>> -> memref<1x8x256xf32, #tpu.memory_space<hbm>>
    %dma_wait3A_498 = tpu.memref_squeeze %dma_wait3A_497 : memref<1x8x256xf32, #tpu.memory_space<hbm>> -> memref<8x256xf32, #tpu.memory_space<hbm>>
    %dma_wait3A_499 = tpu.memref_slice %arg3[%add3A_311, %mul3A_34, %select_n3A_434] : memref<2048x64x2048xf32, #tpu.memory_space<hbm>> -> memref<1x8x256xf32, #tpu.memory_space<hbm>>
    %dma_wait3A_500 = tpu.memref_squeeze %dma_wait3A_499 : memref<1x8x256xf32, #tpu.memory_space<hbm>> -> memref<8x256xf32, #tpu.memory_space<hbm>>
    %dma_wait3A_501 = arith.constant 0 : i32
    %dma_wait3A_502 = tpu.memref_slice %arg6[%dma_wait3A_501, %select_n3A_437] : memref<8x512xf32, #tpu.memory_space<vmem>> -> memref<8x256xf32, #tpu.memory_space<vmem>>
    tpu.wait_dma2 semaphore(%arg8 : memref<!tpu.dma_semaphore, #tpu.memory_space<semaphore_mem>>) src(%dma_wait3A_502 : memref<8x256xf32, #tpu.memory_space<vmem>>) dst(%dma_wait3A_500 : memref<8x256xf32, #tpu.memory_space<hbm>>)
    %dma_wait3A_503 = arith.constant 0 : i32
    %dma_wait3A_504 = tpu.memref_slice %arg6[%dma_wait3A_503, %select_n3A_451] : memref<8x512xf32, #tpu.memory_space<vmem>> -> memref<8x256xf32, #tpu.memory_space<vmem>>
    %dma_wait3A_505 = tpu.memref_slice %arg3[%add3A_311, %mul3A_34, %select_n3A_448] : memref<2048x64x2048xf32, #tpu.memory_space<hbm>> -> memref<1x8x256xf32, #tpu.memory_space<hbm>>
    %dma_wait3A_506 = tpu.memref_squeeze %dma_wait3A_505 : memref<1x8x256xf32, #tpu.memory_space<hbm>> -> memref<8x256xf32, #tpu.memory_space<hbm>>
    %dma_wait3A_507 = tpu.memref_slice %arg3[%add3A_311, %mul3A_34, %select_n3A_448] : memref<2048x64x2048xf32, #tpu.memory_space<hbm>> -> memref<1x8x256xf32, #tpu.memory_space<hbm>>
    %dma_wait3A_508 = tpu.memref_squeeze %dma_wait3A_507 : memref<1x8x256xf32, #tpu.memory_space<hbm>> -> memref<8x256xf32, #tpu.memory_space<hbm>>
    %dma_wait3A_509 = arith.constant 0 : i32
    %dma_wait3A_510 = tpu.memref_slice %arg6[%dma_wait3A_509, %select_n3A_451] : memref<8x512xf32, #tpu.memory_space<vmem>> -> memref<8x256xf32, #tpu.memory_space<vmem>>
    tpu.wait_dma2 semaphore(%arg8 : memref<!tpu.dma_semaphore, #tpu.memory_space<semaphore_mem>>) src(%dma_wait3A_510 : memref<8x256xf32, #tpu.memory_space<vmem>>) dst(%dma_wait3A_508 : memref<8x256xf32, #tpu.memory_space<hbm>>)
    %add3A_511 = arith.constant 511 : i32
    %add3A_512 = arith.addi %mul3A_32, %add3A_511 : i32
    %rem3A_513 = arith.constant 511 : i32
    %rem3A_514 = arith.constant 3 : i32
    %rem3A_515 = arith.remsi %rem3A_513, %rem3A_514 : i32
    %sub3A_516 = arith.constant 128 : i32
    %sub3A_517 = arith.subi %add3A_512, %sub3A_516 : i32
    %jit3A_518 = arith.constant 0 : i32
    %jit3A_519 = arith.constant 1536 : i32
    %max3A_520 = arith.maxsi %jit3A_518, %sub3A_517 : i32
    %min3A_521 = arith.minsi %jit3A_519, %max3A_520 : i32
    %jit3A_522 = arith.constant 256 : i32
    %div3A_523 = arith.divsi %min3A_521, %jit3A_522 : i32
    %sign3A_524 = arith.constant 0 : i32
    %sign3A_525 = arith.cmpi sgt, %min3A_521, %sign3A_524 : i32
    %sign3A_526 = arith.extui %sign3A_525 : i1 to i32
    %sign3A_527 = arith.constant 0 : i32
    %sign3A_528 = arith.cmpi slt, %min3A_521, %sign3A_527 : i32
    %sign3A_529 = arith.extui %sign3A_528 : i1 to i32
    %sign3A_530 = arith.subi %sign3A_526, %sign3A_529 : i32
    %sign3A_531 = arith.constant 0 : i32
    %sign3A_532 = arith.cmpi sgt, %jit3A_522, %sign3A_531 : i32
    %sign3A_533 = arith.extui %sign3A_532 : i1 to i32
    %sign3A_534 = arith.constant 0 : i32
    %sign3A_535 = arith.cmpi slt, %jit3A_522, %sign3A_534 : i32
    %sign3A_536 = arith.extui %sign3A_535 : i1 to i32
    %sign3A_537 = arith.subi %sign3A_533, %sign3A_536 : i32
    %ne3A_538 = arith.cmpi ne, %sign3A_530, %sign3A_537 : i32
    %rem3A_539 = arith.remsi %min3A_521, %jit3A_522 : i32
    %ne3A_540 = arith.constant 0 : i32
    %ne3A_541 = arith.cmpi ne, %rem3A_539, %ne3A_540 : i32
    %and3A_542 = arith.andi %ne3A_538, %ne3A_541 : i1
    %sub3A_543 = arith.constant 1 : i32
    %sub3A_544 = arith.subi %div3A_523, %sub3A_543 : i32
    %select_n3A_545 = arith.select %and3A_542, %sub3A_544, %div3A_523 : i32
    %mul3A_546 = arith.constant 256 : i32
    %mul3A_547 = arith.muli %select_n3A_545, %mul3A_546 : i32
    %jit3A_548 = arith.constant 256 : i32
    %div3A_549 = arith.divsi %mul3A_547, %jit3A_548 : i32
    %sign3A_550 = arith.constant 0 : i32
    %sign3A_551 = arith.cmpi sgt, %mul3A_547, %sign3A_550 : i32
    %sign3A_552 = arith.extui %sign3A_551 : i1 to i32
    %sign3A_553 = arith.constant 0 : i32
    %sign3A_554 = arith.cmpi slt, %mul3A_547, %sign3A_553 : i32
    %sign3A_555 = arith.extui %sign3A_554 : i1 to i32
    %sign3A_556 = arith.subi %sign3A_552, %sign3A_555 : i32
    %sign3A_557 = arith.constant 0 : i32
    %sign3A_558 = arith.cmpi sgt, %jit3A_548, %sign3A_557 : i32
    %sign3A_559 = arith.extui %sign3A_558 : i1 to i32
    %sign3A_560 = arith.constant 0 : i32
    %sign3A_561 = arith.cmpi slt, %jit3A_548, %sign3A_560 : i32
    %sign3A_562 = arith.extui %sign3A_561 : i1 to i32
    %sign3A_563 = arith.subi %sign3A_559, %sign3A_562 : i32
    %ne3A_564 = arith.cmpi ne, %sign3A_556, %sign3A_563 : i32
    %rem3A_565 = arith.remsi %mul3A_547, %jit3A_548 : i32
    %ne3A_566 = arith.constant 0 : i32
    %ne3A_567 = arith.cmpi ne, %rem3A_565, %ne3A_566 : i32
    %and3A_568 = arith.andi %ne3A_564, %ne3A_567 : i1
    %sub3A_569 = arith.constant 1 : i32
    %sub3A_570 = arith.subi %div3A_549, %sub3A_569 : i32
    %select_n3A_571 = arith.select %and3A_568, %sub3A_570, %div3A_549 : i32
    %gt3A_572 = arith.constant 0 : i32
    %gt3A_573 = arith.cmpi sgt, %select_n3A_571, %gt3A_572 : i32
    %add3A_574 = arith.constant 512 : i32
    %add3A_575 = arith.addi %mul3A_547, %add3A_574 : i32
    %add3A_576 = arith.constant 0 : i32
    %add3A_577 = arith.addi %add3A_575, %add3A_576 : i32
    %mul3A_578 = arith.constant 256 : i32
    %mul3A_579 = arith.muli %mul3A_578, %select_n3A_571 : i32
    %sub3A_580 = arith.subi %add3A_577, %mul3A_579 : i32
    %jit3A_581 = arith.constant 0 : i32
    %select_n3A_582 = arith.select %gt3A_573, %jit3A_581, %sub3A_580 : i32
    %jit3A_583 = arith.constant 0 : i32
    %jit3A_584 = arith.constant 256 : i32
    %select_n3A_585 = arith.select %gt3A_573, %jit3A_583, %jit3A_584 : i32
    %gt3A_586 = arith.constant 1 : i32
    %gt3A_587 = arith.cmpi sgt, %select_n3A_571, %gt3A_586 : i32
    %add3A_588 = arith.constant 512 : i32
    %add3A_589 = arith.addi %mul3A_547, %add3A_588 : i32
    %add3A_590 = arith.constant 256 : i32
    %add3A_591 = arith.addi %add3A_589, %add3A_590 : i32
    %mul3A_592 = arith.constant 256 : i32
    %mul3A_593 = arith.muli %mul3A_592, %select_n3A_571 : i32
    %sub3A_594 = arith.subi %add3A_591, %mul3A_593 : i32
    %jit3A_595 = arith.constant 256 : i32
    %select_n3A_596 = arith.select %gt3A_587, %jit3A_595, %sub3A_594 : i32
    %jit3A_597 = arith.constant 0 : i32
    %jit3A_598 = arith.constant 256 : i32
    %select_n3A_599 = arith.select %gt3A_587, %jit3A_597, %jit3A_598 : i32
    %gt3A_600 = arith.constant 2 : i32
    %gt3A_601 = arith.cmpi sgt, %select_n3A_571, %gt3A_600 : i32
    %add3A_602 = arith.constant 512 : i32
    %add3A_603 = arith.addi %mul3A_547, %add3A_602 : i32
    %add3A_604 = arith.constant 512 : i32
    %add3A_605 = arith.addi %add3A_603, %add3A_604 : i32
    %mul3A_606 = arith.constant 256 : i32
    %mul3A_607 = arith.muli %mul3A_606, %select_n3A_571 : i32
    %sub3A_608 = arith.subi %add3A_605, %mul3A_607 : i32
    %jit3A_609 = arith.constant 512 : i32
    %select_n3A_610 = arith.select %gt3A_601, %jit3A_609, %sub3A_608 : i32
    %jit3A_611 = arith.constant 0 : i32
    %jit3A_612 = arith.constant 256 : i32
    %select_n3A_613 = arith.select %gt3A_601, %jit3A_611, %jit3A_612 : i32
    %gt3A_614 = arith.constant 3 : i32
    %gt3A_615 = arith.cmpi sgt, %select_n3A_571, %gt3A_614 : i32
    %add3A_616 = arith.constant 512 : i32
    %add3A_617 = arith.addi %mul3A_547, %add3A_616 : i32
    %add3A_618 = arith.constant 768 : i32
    %add3A_619 = arith.addi %add3A_617, %add3A_618 : i32
    %mul3A_620 = arith.constant 256 : i32
    %mul3A_621 = arith.muli %mul3A_620, %select_n3A_571 : i32
    %sub3A_622 = arith.subi %add3A_619, %mul3A_621 : i32
    %jit3A_623 = arith.constant 768 : i32
    %select_n3A_624 = arith.select %gt3A_615, %jit3A_623, %sub3A_622 : i32
    %jit3A_625 = arith.constant 0 : i32
    %jit3A_626 = arith.constant 256 : i32
    %select_n3A_627 = arith.select %gt3A_615, %jit3A_625, %jit3A_626 : i32
    %gt3A_628 = arith.constant 4 : i32
    %gt3A_629 = arith.cmpi sgt, %select_n3A_571, %gt3A_628 : i32
    %add3A_630 = arith.constant 512 : i32
    %add3A_631 = arith.addi %mul3A_547, %add3A_630 : i32
    %add3A_632 = arith.constant 1024 : i32
    %add3A_633 = arith.addi %add3A_631, %add3A_632 : i32
    %mul3A_634 = arith.constant 256 : i32
    %mul3A_635 = arith.muli %mul3A_634, %select_n3A_571 : i32
    %sub3A_636 = arith.subi %add3A_633, %mul3A_635 : i32
    %jit3A_637 = arith.constant 1024 : i32
    %select_n3A_638 = arith.select %gt3A_629, %jit3A_637, %sub3A_636 : i32
    %jit3A_639 = arith.constant 0 : i32
    %jit3A_640 = arith.constant 256 : i32
    %select_n3A_641 = arith.select %gt3A_629, %jit3A_639, %jit3A_640 : i32
    %gt3A_642 = arith.constant 5 : i32
    %gt3A_643 = arith.cmpi sgt, %select_n3A_571, %gt3A_642 : i32
    %add3A_644 = arith.constant 512 : i32
    %add3A_645 = arith.addi %mul3A_547, %add3A_644 : i32
    %add3A_646 = arith.constant 1280 : i32
    %add3A_647 = arith.addi %add3A_645, %add3A_646 : i32
    %mul3A_648 = arith.constant 256 : i32
    %mul3A_649 = arith.muli %mul3A_648, %select_n3A_571 : i32
    %sub3A_650 = arith.subi %add3A_647, %mul3A_649 : i32
    %jit3A_651 = arith.constant 1280 : i32
    %select_n3A_652 = arith.select %gt3A_643, %jit3A_651, %sub3A_650 : i32
    %jit3A_653 = arith.constant 0 : i32
    %jit3A_654 = arith.constant 256 : i32
    %select_n3A_655 = arith.select %gt3A_643, %jit3A_653, %jit3A_654 : i32
    %dma_wait3A_656 = arith.constant 0 : i32
    %dma_wait3A_657 = arith.constant 0 : i32
    %dma_wait3A_658 = tpu.memref_slice %arg7[%rem3A_515, %dma_wait3A_656, %dma_wait3A_657] : memref<3x8x512xf32, #tpu.memory_space<vmem>> -> memref<1x8x512xf32, #tpu.memory_space<vmem>>
    %dma_wait3A_659 = tpu.memref_squeeze %dma_wait3A_658 : memref<1x8x512xf32, #tpu.memory_space<vmem>> -> memref<8x512xf32, #tpu.memory_space<vmem>>
    %dma_wait3A_660 = tpu.memref_slice %arg3[%add3A_512, %mul3A_34, %mul3A_547] : memref<2048x64x2048xf32, #tpu.memory_space<hbm>> -> memref<1x8x512xf32, #tpu.memory_space<hbm>>
    %dma_wait3A_661 = tpu.memref_squeeze %dma_wait3A_660 : memref<1x8x512xf32, #tpu.memory_space<hbm>> -> memref<8x512xf32, #tpu.memory_space<hbm>>
    %dma_wait3A_662 = tpu.memref_slice %arg3[%add3A_512, %mul3A_34, %mul3A_547] : memref<2048x64x2048xf32, #tpu.memory_space<hbm>> -> memref<1x8x512xf32, #tpu.memory_space<hbm>>
    %dma_wait3A_663 = tpu.memref_squeeze %dma_wait3A_662 : memref<1x8x512xf32, #tpu.memory_space<hbm>> -> memref<8x512xf32, #tpu.memory_space<hbm>>
    %dma_wait3A_664 = arith.constant 0 : i32
    %dma_wait3A_665 = arith.constant 0 : i32
    %dma_wait3A_666 = tpu.memref_slice %arg7[%rem3A_515, %dma_wait3A_664, %dma_wait3A_665] : memref<3x8x512xf32, #tpu.memory_space<vmem>> -> memref<1x8x512xf32, #tpu.memory_space<vmem>>
    %dma_wait3A_667 = tpu.memref_squeeze %dma_wait3A_666 : memref<1x8x512xf32, #tpu.memory_space<vmem>> -> memref<8x512xf32, #tpu.memory_space<vmem>>
    tpu.wait_dma2 semaphore(%arg8 : memref<!tpu.dma_semaphore, #tpu.memory_space<semaphore_mem>>) src(%dma_wait3A_667 : memref<8x512xf32, #tpu.memory_space<vmem>>) dst(%dma_wait3A_663 : memref<8x512xf32, #tpu.memory_space<hbm>>)
    %dma_wait3A_668 = arith.constant 0 : i32
    %dma_wait3A_669 = tpu.memref_slice %arg6[%dma_wait3A_668, %select_n3A_585] : memref<8x512xf32, #tpu.memory_space<vmem>> -> memref<8x256xf32, #tpu.memory_space<vmem>>
    %dma_wait3A_670 = tpu.memref_slice %arg3[%add3A_512, %mul3A_34, %select_n3A_582] : memref<2048x64x2048xf32, #tpu.memory_space<hbm>> -> memref<1x8x256xf32, #tpu.memory_space<hbm>>
    %dma_wait3A_671 = tpu.memref_squeeze %dma_wait3A_670 : memref<1x8x256xf32, #tpu.memory_space<hbm>> -> memref<8x256xf32, #tpu.memory_space<hbm>>
    %dma_wait3A_672 = tpu.memref_slice %arg3[%add3A_512, %mul3A_34, %select_n3A_582] : memref<2048x64x2048xf32, #tpu.memory_space<hbm>> -> memref<1x8x256xf32, #tpu.memory_space<hbm>>
    %dma_wait3A_673 = tpu.memref_squeeze %dma_wait3A_672 : memref<1x8x256xf32, #tpu.memory_space<hbm>> -> memref<8x256xf32, #tpu.memory_space<hbm>>
    %dma_wait3A_674 = arith.constant 0 : i32
    %dma_wait3A_675 = tpu.memref_slice %arg6[%dma_wait3A_674, %select_n3A_585] : memref<8x512xf32, #tpu.memory_space<vmem>> -> memref<8x256xf32, #tpu.memory_space<vmem>>
    tpu.wait_dma2 semaphore(%arg8 : memref<!tpu.dma_semaphore, #tpu.memory_space<semaphore_mem>>) src(%dma_wait3A_675 : memref<8x256xf32, #tpu.memory_space<vmem>>) dst(%dma_wait3A_673 : memref<8x256xf32, #tpu.memory_space<hbm>>)
    %dma_wait3A_676 = arith.constant 0 : i32
    %dma_wait3A_677 = tpu.memref_slice %arg6[%dma_wait3A_676, %select_n3A_599] : memref<8x512xf32, #tpu.memory_space<vmem>> -> memref<8x256xf32, #tpu.memory_space<vmem>>
    %dma_wait3A_678 = tpu.memref_slice %arg3[%add3A_512, %mul3A_34, %select_n3A_596] : memref<2048x64x2048xf32, #tpu.memory_space<hbm>> -> memref<1x8x256xf32, #tpu.memory_space<hbm>>
    %dma_wait3A_679 = tpu.memref_squeeze %dma_wait3A_678 : memref<1x8x256xf32, #tpu.memory_space<hbm>> -> memref<8x256xf32, #tpu.memory_space<hbm>>
    %dma_wait3A_680 = tpu.memref_slice %arg3[%add3A_512, %mul3A_34, %select_n3A_596] : memref<2048x64x2048xf32, #tpu.memory_space<hbm>> -> memref<1x8x256xf32, #tpu.memory_space<hbm>>
    %dma_wait3A_681 = tpu.memref_squeeze %dma_wait3A_680 : memref<1x8x256xf32, #tpu.memory_space<hbm>> -> memref<8x256xf32, #tpu.memory_space<hbm>>
    %dma_wait3A_682 = arith.constant 0 : i32
    %dma_wait3A_683 = tpu.memref_slice %arg6[%dma_wait3A_682, %select_n3A_599] : memref<8x512xf32, #tpu.memory_space<vmem>> -> memref<8x256xf32, #tpu.memory_space<vmem>>
    tpu.wait_dma2 semaphore(%arg8 : memref<!tpu.dma_semaphore, #tpu.memory_space<semaphore_mem>>) src(%dma_wait3A_683 : memref<8x256xf32, #tpu.memory_space<vmem>>) dst(%dma_wait3A_681 : memref<8x256xf32, #tpu.memory_space<hbm>>)
    %dma_wait3A_684 = arith.constant 0 : i32
    %dma_wait3A_685 = tpu.memref_slice %arg6[%dma_wait3A_684, %select_n3A_613] : memref<8x512xf32, #tpu.memory_space<vmem>> -> memref<8x256xf32, #tpu.memory_space<vmem>>
    %dma_wait3A_686 = tpu.memref_slice %arg3[%add3A_512, %mul3A_34, %select_n3A_610] : memref<2048x64x2048xf32, #tpu.memory_space<hbm>> -> memref<1x8x256xf32, #tpu.memory_space<hbm>>
    %dma_wait3A_687 = tpu.memref_squeeze %dma_wait3A_686 : memref<1x8x256xf32, #tpu.memory_space<hbm>> -> memref<8x256xf32, #tpu.memory_space<hbm>>
    %dma_wait3A_688 = tpu.memref_slice %arg3[%add3A_512, %mul3A_34, %select_n3A_610] : memref<2048x64x2048xf32, #tpu.memory_space<hbm>> -> memref<1x8x256xf32, #tpu.memory_space<hbm>>
    %dma_wait3A_689 = tpu.memref_squeeze %dma_wait3A_688 : memref<1x8x256xf32, #tpu.memory_space<hbm>> -> memref<8x256xf32, #tpu.memory_space<hbm>>
    %dma_wait3A_690 = arith.constant 0 : i32
    %dma_wait3A_691 = tpu.memref_slice %arg6[%dma_wait3A_690, %select_n3A_613] : memref<8x512xf32, #tpu.memory_space<vmem>> -> memref<8x256xf32, #tpu.memory_space<vmem>>
    tpu.wait_dma2 semaphore(%arg8 : memref<!tpu.dma_semaphore, #tpu.memory_space<semaphore_mem>>) src(%dma_wait3A_691 : memref<8x256xf32, #tpu.memory_space<vmem>>) dst(%dma_wait3A_689 : memref<8x256xf32, #tpu.memory_space<hbm>>)
    %dma_wait3A_692 = arith.constant 0 : i32
    %dma_wait3A_693 = tpu.memref_slice %arg6[%dma_wait3A_692, %select_n3A_627] : memref<8x512xf32, #tpu.memory_space<vmem>> -> memref<8x256xf32, #tpu.memory_space<vmem>>
    %dma_wait3A_694 = tpu.memref_slice %arg3[%add3A_512, %mul3A_34, %select_n3A_624] : memref<2048x64x2048xf32, #tpu.memory_space<hbm>> -> memref<1x8x256xf32, #tpu.memory_space<hbm>>
    %dma_wait3A_695 = tpu.memref_squeeze %dma_wait3A_694 : memref<1x8x256xf32, #tpu.memory_space<hbm>> -> memref<8x256xf32, #tpu.memory_space<hbm>>
    %dma_wait3A_696 = tpu.memref_slice %arg3[%add3A_512, %mul3A_34, %select_n3A_624] : memref<2048x64x2048xf32, #tpu.memory_space<hbm>> -> memref<1x8x256xf32, #tpu.memory_space<hbm>>
    %dma_wait3A_697 = tpu.memref_squeeze %dma_wait3A_696 : memref<1x8x256xf32, #tpu.memory_space<hbm>> -> memref<8x256xf32, #tpu.memory_space<hbm>>
    %dma_wait3A_698 = arith.constant 0 : i32
    %dma_wait3A_699 = tpu.memref_slice %arg6[%dma_wait3A_698, %select_n3A_627] : memref<8x512xf32, #tpu.memory_space<vmem>> -> memref<8x256xf32, #tpu.memory_space<vmem>>
    tpu.wait_dma2 semaphore(%arg8 : memref<!tpu.dma_semaphore, #tpu.memory_space<semaphore_mem>>) src(%dma_wait3A_699 : memref<8x256xf32, #tpu.memory_space<vmem>>) dst(%dma_wait3A_697 : memref<8x256xf32, #tpu.memory_space<hbm>>)
    %dma_wait3A_700 = arith.constant 0 : i32
    %dma_wait3A_701 = tpu.memref_slice %arg6[%dma_wait3A_700, %select_n3A_641] : memref<8x512xf32, #tpu.memory_space<vmem>> -> memref<8x256xf32, #tpu.memory_space<vmem>>
    %dma_wait3A_702 = tpu.memref_slice %arg3[%add3A_512, %mul3A_34, %select_n3A_638] : memref<2048x64x2048xf32, #tpu.memory_space<hbm>> -> memref<1x8x256xf32, #tpu.memory_space<hbm>>
    %dma_wait3A_703 = tpu.memref_squeeze %dma_wait3A_702 : memref<1x8x256xf32, #tpu.memory_space<hbm>> -> memref<8x256xf32, #tpu.memory_space<hbm>>
    %dma_wait3A_704 = tpu.memref_slice %arg3[%add3A_512, %mul3A_34, %select_n3A_638] : memref<2048x64x2048xf32, #tpu.memory_space<hbm>> -> memref<1x8x256xf32, #tpu.memory_space<hbm>>
    %dma_wait3A_705 = tpu.memref_squeeze %dma_wait3A_704 : memref<1x8x256xf32, #tpu.memory_space<hbm>> -> memref<8x256xf32, #tpu.memory_space<hbm>>
    %dma_wait3A_706 = arith.constant 0 : i32
    %dma_wait3A_707 = tpu.memref_slice %arg6[%dma_wait3A_706, %select_n3A_641] : memref<8x512xf32, #tpu.memory_space<vmem>> -> memref<8x256xf32, #tpu.memory_space<vmem>>
    tpu.wait_dma2 semaphore(%arg8 : memref<!tpu.dma_semaphore, #tpu.memory_space<semaphore_mem>>) src(%dma_wait3A_707 : memref<8x256xf32, #tpu.memory_space<vmem>>) dst(%dma_wait3A_705 : memref<8x256xf32, #tpu.memory_space<hbm>>)
    %dma_wait3A_708 = arith.constant 0 : i32
    %dma_wait3A_709 = tpu.memref_slice %arg6[%dma_wait3A_708, %select_n3A_655] : memref<8x512xf32, #tpu.memory_space<vmem>> -> memref<8x256xf32, #tpu.memory_space<vmem>>
    %dma_wait3A_710 = tpu.memref_slice %arg3[%add3A_512, %mul3A_34, %select_n3A_652] : memref<2048x64x2048xf32, #tpu.memory_space<hbm>> -> memref<1x8x256xf32, #tpu.memory_space<hbm>>
    %dma_wait3A_711 = tpu.memref_squeeze %dma_wait3A_710 : memref<1x8x256xf32, #tpu.memory_space<hbm>> -> memref<8x256xf32, #tpu.memory_space<hbm>>
    %dma_wait3A_712 = tpu.memref_slice %arg3[%add3A_512, %mul3A_34, %select_n3A_652] : memref<2048x64x2048xf32, #tpu.memory_space<hbm>> -> memref<1x8x256xf32, #tpu.memory_space<hbm>>
    %dma_wait3A_713 = tpu.memref_squeeze %dma_wait3A_712 : memref<1x8x256xf32, #tpu.memory_space<hbm>> -> memref<8x256xf32, #tpu.memory_space<hbm>>
    %dma_wait3A_714 = arith.constant 0 : i32
    %dma_wait3A_715 = tpu.memref_slice %arg6[%dma_wait3A_714, %select_n3A_655] : memref<8x512xf32, #tpu.memory_space<vmem>> -> memref<8x256xf32, #tpu.memory_space<vmem>>
    tpu.wait_dma2 semaphore(%arg8 : memref<!tpu.dma_semaphore, #tpu.memory_space<semaphore_mem>>) src(%dma_wait3A_715 : memref<8x256xf32, #tpu.memory_space<vmem>>) dst(%dma_wait3A_713 : memref<8x256xf32, #tpu.memory_space<hbm>>)
    return
  }
}

</mosaic_0001>

<sc_bundles>
// kernel: kernel.3.cloned.1.call-start
scs
__scs_entry_jumppad:
0x0: {  	(pc) =	sbr.rel $0x88, $3  }
0x1: {  	(tag) =	ssettag $0x0;
	lr =	simm.s32 $0x1  }
0x2: {  	[smem:$0x3FA0] =	sst lr;
	_ =	strace $0xD0000000  }
0x3: {  	_ = 	snop  }
0x4: {  	_ = 	snop  }
0x5: {  	_ = 	snop  }
0x6: {  	_ = 	snop  }
0x7: {  	_ = 	snop  }
__scs_overlays_trampoline_lowered:
0x8: {  	[smem:$0x3FAF] =	sst s0  }
0x9: {  	[smem:$0x3FB0] =	sst s1  }
0xa: {  	[smem:$0x3FB1] =	sst s2  }
0xb: {  	[smem:$0x3FB2] =	sst s3  }
0xc: {  	[smem:$0x3FB3] =	sst s4  }
0xd: {  	[smem:$0x3FB4] =	sst s5  }
0xe: {  	[smem:$0x3FB5] =	sst s6  }
0xf: {  	[smem:$0x3FB6] =	sst s7  }
0x10: {  	[smem:$0x3FB7] =	sst s8  }
0x11: {  	[smem:$0x3FB8] =	sst s9;
	s0 =	simm.s32 @!p0 $0x0  }
0x12: {  	s1 =	sld [smem:$0x3F9E];
	s0 =	simm.s32 @p0 $0x1  }
0x13: {  	[smem:$0x3FB9] =	sst s0;
	s0 =	simm.s32 @!p1 $0x0  }
0x14: {  	s2 =	sld [smem:$0x3F9D];
	s0 =	simm.s32 @p1 $0x1  }
0x15: {  	[smem:$0x3FBA] =	sst s0;
	s0 =	simm.s32 @!p2 $0x0  }
0x16: {  	s3 =	sld [smem:$0x3FDB];
	s0 =	simm.s32 @p2 $0x1  }
0x17: {  	s4 =	simm.s32 $0x1BF5;
	[smem:$0x3FBC] =	sst s0  }
0x18: {  	s0 =	sld [smem:$0x3F9F];
	_ =	swait.ge [sflag:s4], $0x0  }
0x19: {  	s7 =	sld [smem:$0x3FA0]  }
0x1a: {  	s8 =	sadd.s32 $0xFFFFE003, lr  }
0x1b: {  	s9 =	sadd.s32 $0xFFFFFEF7, lr;
	s5 =	simm.s32 $0xFFFFFFFF;
	p2 =	slt.u32 s8, $0xFFFFF086  }
0x1c: {  	p1 =	slt.u32 s9, $0xF7A;
	s5 =	simm.s32 @!p2 $0x0  }
0x1d: {  	s5 =	simm.s32 @p1 $0x1;
	p0 =	seq.s32 s7, s2  }
0x1e: {  	s7 =	smul.u32 @!p0 $0xF7A, s2;
	p2 =	seq.s32 @!p0 s5, $0x0  }
0x1f: {  	s9 =	smul.u32 $0xF7A, s1;
	s8 =	simm.s32 @!p0 $0x1BF5;
	p2 =	por !p2, p0  }
0x20: {  	[sflag:s8] =	ssyncset.s32 @!p0 $0xFFFFF086;
	s6 =	sadd.s32 @!p0 s3, s7;
	s7 =	simm.s32 @!p0 $0x108  }
0x21: {  	s3 =	sadd.s32 s3, s9;
	s6 =	sadd.s32 @!p0 $0x88, s6;
	s7 =	simm.s32 @p2 $0x1082  }
0x22: {  	[simem:s7], [sflag:s8] =	dma.local @!p0 [hbm:s6], $0xF7A  }
0x23: {  	s9 =	sor.u32 $0xD0000000, s2;
	s6 =	simm.s32 $0x108;
	_ =	swait.ge @!p0 [sflag:s8], $0x0  }
0x24: {  	s3 =	sadd.s32 $0x88, s3;
	s6 =	simm.s32 @!p1 $0x1082;
	[sflag:s4] =	ssyncset.s32 $0xFFFFF086  }
0x25: {  	[simem:s6], [sflag:s4] =	dma.local [hbm:s3], $0xF7A  }
0x26: {  	[smem:$0x3FA0] =	sst s1;
	(tag) =	ssettag s2;
	_ =	strace s9  }
0x27: {  	s1 =	sld [smem:$0x3FB0]  }
0x28: {  	s2 =	sld [smem:$0x3FB1]  }
0x29: {  	s4 =	sld [smem:$0x3FB3]  }
0x2a: {  	p0 =	seq.s32 s5, $0x0;
	s5 =	sld [smem:$0x3FB4]  }
0x2b: {  	s6 =	sld [smem:$0x3FB5]  }
0x2c: {  	s7 =	sld [smem:$0x3FB6]  }
0x2d: {  	s3 =	simm.s32 $0x108;
	s8 =	sld [smem:$0x3FB7]  }
0x2e: {  	s3 =	simm.s32 @!p0 $0x1082;
	s9 =	sld [smem:$0x3FB8]  }
0x2f: {  	lr =	sadd.s32 s0, s3;
	s0 =	sld [smem:$0x3FAF]  }
0x30: {  	s3 =	sld [smem:$0x3FB2]  }
0x31: {  	[smem:$0x3FBB] =	sst s10  }
0x32: {  	s10 =	sld [smem:$0x3FB9];
	_ =	sdelay $0x3  }
0x33: {  	p0 =	seq.s32 s10, $0x1;
	s10 =	sld [smem:$0x3FBB];
	_ =	sdelay $0x3  }
0x34: {  	[smem:$0x3FBB] =	sst s10  }
0x35: {  	s10 =	sld [smem:$0x3FBA];
	_ =	sdelay $0x3  }
0x36: {  	p1 =	seq.s32 s10, $0x1;
	s10 =	sld [smem:$0x3FBB];
	_ =	sdelay $0x3  }
0x37: {  	[smem:$0x3FBB] =	sst s10  }
0x38: {  	s10 =	sld [smem:$0x3FBC]  }
0x39: {  	_ = 	snop;
	(pc) =	sbr.ind lr, $3  }
0x3a: {  	_ = 	snop  }
0x3b: {  	_ = 	snop  }
0x3c: {  	p2 =	seq.s32 s10, $0x1;
	s10 =	sld [smem:$0x3FBB]  }
0x3d: {  	_ =	shalt  }
0x3e: {  	_ =	shalt  }
0x3f: {  	_ =	shalt  }
0x40: {  	_ =	shalt  }
0x41: {  	_ =	shalt  }
0x42: {  	_ =	shalt  }
0x43: {  	_ =	shalt  }
0x44: {  	_ =	shalt  }
0x45: {  	_ =	shalt  }
0x46: {  	_ =	shalt  }
0x47: {  	_ =	shalt  }
0x48: {  	_ =	shalt  }
0x49: {  	_ =	shalt  }
0x4a: {  	_ =	shalt  }
0x4b: {  	_ =	shalt  }
0x4c: {  	_ =	shalt  }
0x4d: {  	_ =	shalt  }
0x4e: {  	_ =	shalt  }
0x4f: {  	_ =	shalt  }
0x50: {  	_ =	shalt  }
0x51: {  	_ =	shalt  }
0x52: {  	_ =	shalt  }
0x53: {  	_ =	shalt  }
0x54: {  	_ =	shalt  }
0x55: {  	_ =	shalt  }
0x56: {  	_ =	shalt  }
0x57: {  	_ =	shalt  }
0x58: {  	_ =	shalt  }
0x59: {  	_ =	shalt  }
0x5a: {  	_ =	shalt  }
0x5b: {  	_ =	shalt  }
0x5c: {  	_ =	shalt  }
0x5d: {  	_ =	shalt  }
0x5e: {  	_ =	shalt  }
0x5f: {  	_ =	shalt  }
0x60: {  	_ =	shalt  }
0x61: {  	_ =	shalt  }
0x62: {  	_ =	shalt  }
0x63: {  	_ =	shalt  }
0x64: {  	_ =	shalt  }
0x65: {  	_ =	shalt  }
0x66: {  	_ =	shalt  }
0x67: {  	_ =	shalt  }
0x68: {  	_ =	shalt  }
0x69: {  	_ =	shalt  }
0x6a: {  	_ =	shalt  }
0x6b: {  	_ =	shalt  }
0x6c: {  	_ =	shalt  }
0x6d: {  	_ =	shalt  }
0x6e: {  	_ =	shalt  }
0x6f: {  	_ =	shalt  }
0x70: {  	_ =	shalt  }
0x71: {  	_ =	shalt  }
0x72: {  	_ =	shalt  }
0x73: {  	_ =	shalt  }
0x74: {  	_ =	shalt  }
0x75: {  	_ =	shalt  }
0x76: {  	_ =	shalt  }
0x77: {  	_ =	shalt  }
0x78: {  	_ =	shalt  }
0x79: {  	_ =	shalt  }
0x7a: {  	_ =	shalt  }
0x7b: {  	_ =	shalt  }
0x7c: {  	_ =	shalt  }
0x7d: {  	_ =	shalt  }
0x7e: {  	_ =	shalt  }
0x7f: {  	_ =	shalt  }
0x80: {  	_ =	shalt  }
0x81: {  	_ =	shalt  }
0x82: {  	_ =	shalt  }
0x83: {  	_ =	shalt  }
0x84: {  	_ =	shalt  }
0x85: {  	_ =	shalt  }
0x86: {  	_ =	shalt  }
0x87: {  	_ =	shalt  }
.Lfunc_end0:
.L_simem_size_0:
called_computation_lowered:
.L_overlay_start_0:
0x88: {  	s2 =	sld [smem:$0x3FD9]  }
0x89: {  	s3 =	sld [smem:$0x3FFE];
	_ =	sdelay $0x1  }
0x8a: {  	s1 =	srdreg.scid  }
0x8b: {  	s0 =	sand.u32 $0x1, s1  }
0x8c: {  	s17 =	sshll.u32 s0, $0xA;
	s2 =	sadd.s32 s3, s2  }
0x8d: {  	s2 =	sadd.s32 s2, s17  }
0x8e: {  	[smem:$0x3FC7] =	sst s2  }
0x8f: {  	_ = 	snop  }
0x90: {  	s2 =	sld [smem:$0x3FD0];
	(tm) =	ssettm $0x1  }
0x91: {  	s18 =	sld [smem:$0x3FFB];
	_ =	sdelay $0x3  }
0x92: {  	_ =	strace s18  }
0x93: {  	s3 =	sld [smem:$0x3FFC];
	_ =	sdelay $0x3  }
0x94: {  	_ =	strace s3  }
0x95: {  	s3 =	sld [smem:$0x3FFD];
	_ =	sdelay $0x3  }
0x96: {  	_ =	strace s3  }
0x97: {  	_ =	strace $0x8FFFFFFF  }
0x98: {  	s19 =	sld [smem:$0x3FDB];
	_ =	sdelay $0x1  }
0x99: {  	s4 =	simm.s32 $_scs_section_size  }
0x9a: {  	s5 =	simm.s32 $_size__tile_overlayer_lowered;
	s6 =	simm.s32 $_tile_overlayer_lowered  }
0x9b: {  	s22 =	simm.s32 $0x1BFF;
	s21 =	sshll.u32 s6, $0x1;
	s3 =	sadd.s32 s4, s19  }
0x9c: {  	s7 =	simm.s32 $0x0;
	s20 =	sshll.u32 s5, $0x1;
	s5 =	sadd.s32 s21, s3  }
0x9d: {  	[timem:s7], [sflag:s22] =	dma.local [hbm:s5], s20  }
0x9e: {  	_ =	swait.ge [sflag:s22], s20  }
0x9f: {  	s4 =	ssub.s32 $0x0, s20;
	[sflag:s22] =	ssyncset.done $0x0  }
0xa0: {  	[sflag:s22] =	ssyncadd.s32 s4;
	_ =	sdelay $0x1  }
0xa1: {  	s23 =	simm.s32 $0x1B8B  }
0xa2: {  	_ =	swait.ge [sflag:s23], $0x1  }
0xa3: {  	[sflag:s23] =	ssyncset.done $0x0  }
0xa4: {  	s25 =	simm.s32 $0x1B8E;
	s24 =	sld [smem:$0x3FFE];
	[sflag:s23] =	ssyncadd.s32 $0xFFFFFFFF  }
0xa5: {  	s26 =	simm.s32 $execute0_lowered;
	[smem:$0x3FD2] =	sst s25  }
0xa6: {  	s5 =	sshll.u32 s26, $0x1;
	_ =	strace $0x80000046;
	[dreg:$0x1] =	wrdreg $0xFFFFFFFF  }
0xa7: {  	s28 =	simm.s32 $_size_execute0_lowered;
	s3 =	sadd.s32 s3, s5;
	[dreg:$0x0] =	wrdreg $0x0  }
0xa8: {  	s5 =	sshll.u32 s28, $0x1;
	[dreg:$0x2] =	wrdreg s3  }
0xa9: {  	[dreg:$0x3] =	wrdreg s5  }
0xaa: {  	[dreg:$0x4] =	wrdreg $0xC0  }
0xab: {  	_ =	task [dreg:s7], $0x5FFFF  }
0xac: {  	[dreg:$0x1] =	wrdreg $0xFFFFFFFF  }
0xad: {  	[dreg:$0x0] =	wrdreg $0x60  }
0xae: {  	[dreg:$0x2] =	wrdreg s24  }
0xaf: {  	[dreg:$0x3] =	wrdreg s2  }
0xb0: {  	[dreg:$0x4] =	wrdreg $0x9  }
0xb1: {  	_ =	task.clear_ibuf [dreg:s7], $0x5FFFF;
	_ =	strace $0x90000046  }
0xb2: {  	s29 =	simm.s32 $0x9;
	_ =	strace $0x80000048  }
0xb3: {  	_ =	swait.ge [sflag:s29], $0x1  }
0xb4: {  	[sflag:s29] =	ssyncadd.s32 $0xFFFFFFFF  }
0xb5: {  	_ =	strace $0x90000048  }
0xb6: {  	_ =	sfence  }
0xb7: {  	s30 =	sld [smem:$0x0];
	_ =	sdelay $0x2  }
0xb8: {  	s31 =	sshll.u32 s1, $0xD;
	s1 =	sshrl.u32 s1, $0x2  }
0xb9: {  	s3 =	sand.u32 $0x4000, s31;
	s1 =	sadd.s32 s1, s30  }
0xba: {  	s0 =	sor.u32 s3, s0;
	s1 =	sshll.u32 s1, $0x11  }
0xbb: {  	s0 =	sor.u32 s1, s0  }
0xbc: {  	s0 =	sadd.s32 $0x8F2B, s0  }
0xbd: {  	[sflag:s0] =	ssyncadd.remote.s32 $0x1  }
0xbe: {  	_ =	sfence.sel $0xFFFF  }
0xbf: {  	[dreg:$0x0] =	wrdreg $0xFFFFFFFF;
	(pc) =	sbr.abs _section_cstart, $3  }
0xc0: {  	[dreg:$0x1] =	wrdreg $0xFFFFFFFF  }
0xc1: {  	_ =	task.clear_ibuf [dreg:s7], $0x2FFFF;
	_ =	strace $0x9FFFFFFF  }
0xc2: {  	(tm) =	ssettm $0x7FFFFFFF  }
0xc3: {  	_ =	shalt  }
tec
execute0_lowered:
.L_overlay_start_1:
0x0: {  	(tag) =	ssettag $0x1  }
0x1: {  	s0 =	stileid.u32  }
0x2: {  	s4 =	rddreg [dreg:$0x0];
	s1 =	srdreg.scid  }
0x3: {  	s2 =	rddreg [dreg:$0x1];
	s9 =	simm.s32 $0x2;
	s10 =	simm.s32 $0x880  }
0x4: {  	s11 =	simm.s32 $0x1;
	s12 =	simm.s32 $0x0;
	s3 =	sshll.u32 s0, $0x1  }
0x5: {  	s5 =	sand.u32 $0x1, s1;
	s1 =	rddreg [dreg:$0x2];
	s6 =	sand.u32 $0x6, s3  }
0x6: {  	s31 =	sshll.u32 s0, $0x7;
	s3 =	simm.s32 $0x0;
	s6 =	sor.u32 s5, s6  }
0x7: {  	v0 =	vlaneseq.u32;
	[smem:$0x7FF] =	sst s3;
	s5 =	ssub.s32 $0x2, s5;
	s7 =	smul.u32 $0x110, s6  }
0x8: {  	v1 =	vor.u32 $0x400, v0;
	_ =	strace $0x80000047;
	s8 =	sshrl.u32 s5, $0x1;
	s6 =	sshll.u32 s6, $0xE  }
0x9: {  	v2 =	vor.u32 $0x800, v0;
	v3 =	vor.u32 $0xC00, v0;
	v4 =	vor.u32 $0x1000, v0;
	s8 =	ssub.s32 s5, s8;
	s7 =	sadd.s32 s7, s4;
	s4 =	sand.u32 $0x600, s31  }
0xa: {  	v5 =	vor.u32 $0x1400, v0;
	v6 =	vor.u32 $0x1800, v0;
	v7 =	vor.u32 $0x1C00, v0;
	s5 =	sadd.s32 $0x400, s7;
	s7 =	smax.u32 s8, $0x1;
	s8 =	ssub.s32 $0x1FF, s4  }
.LBB2_1:
0xb: {  	[tilespmem:s3], [sflag:$0x2] =	stream.linear.gather [hbm4b:s5+s3], $0x880, $0x38;
	[tilespmem:$0x6880] =	vst v63  }
0xc: {  	_ =	swait.ge [sflag:s9], $0x880  }
0xd: {  	[sflag:s9] =	ssyncset.done $0x0  }
0xe: {  	[sflag:s9] =	ssyncadd.s32 $0xFFFFF780  }
0xf: {  	v8 =	vld.msk [tilespmem:$0x0 ss:$0x0], $0xffff;
	_ =	sdelay $0x4  }
0x10: {  	[tilespmem:$0x880] =	vst v8  }
0x11: {  	[tilespmem:$0x890] =	vst v8  }
0x12: {  	[tilespmem:$0x8A0] =	vst v8  }
0x13: {  	[tilespmem:$0x8B0] =	vst v8  }
0x14: {  	[tilespmem:$0x8C0] =	vst v8  }
0x15: {  	[tilespmem:$0x8D0] =	vst v8  }
0x16: {  	[tilespmem:$0x8E0] =	vst v8  }
0x17: {  	[tilespmem:$0x8F0] =	vst v8  }
0x18: {  	[tilespmem:$0x900] =	vst v8  }
0x19: {  	[tilespmem:$0x910] =	vst v8  }
0x1a: {  	[tilespmem:$0x920] =	vst v8  }
0x1b: {  	[tilespmem:$0x930] =	vst v8  }
0x1c: {  	[tilespmem:$0x940] =	vst v8  }
0x1d: {  	[tilespmem:$0x950] =	vst v8  }
0x1e: {  	[tilespmem:$0x960] =	vst v8  }
0x1f: {  	[tilespmem:$0x970] =	vst v8  }
0x20: {  	[tilespmem:$0x980] =	vst v8  }
0x21: {  	[tilespmem:$0x990] =	vst v8  }
0x22: {  	s13 =	simm.s32 $0x1;
	[tilespmem:$0x9A0] =	vst v8  }
0x23: {  	v10 =	vadd.s32 s13, v0;
	[tilespmem:$0x9B0] =	vst v8  }
0x24: {  	[tilespmem:$0x9C0] =	vst v8  }
0x25: {  	[tilespmem:$0x9D0] =	vst v8  }
0x26: {  	[tilespmem:$0x9E0] =	vst v8  }
0x27: {  	s16 =	simm.s32 $0x11;
	v9 =	vld [tilespmem:$0x100];
	[tilespmem:$0x9F0] =	vst v8  }
0x28: {  	s15 =	simm.s32 $0x20;
	s14 =	simm.s32 $0x0;
	s13 =	simm.s32 $0x10;
	v10 =	vld.idx.msk [tilespmem:v10+s3+$0x0], $0xffff  }
.LBB2_2:
0x29: {  	p0 =	sne.s32 s15, $0xF0;
	v11 =	vadd.s32 s16, v0;
	_ =	sdelay $0x1  }
.Ltmp0:
0x2a: {  	(pc) =	sbr.rel @p0 .LBB2_2-.Ltmp0, $4  }
0x2b: {  	s16 =	sand.u32 $0xF0, s14;
	s14 =	smov.u32 s13;
	s13 =	smov.u32 s15  }
0x2c: {  	[tilespmem:s16+$0xA00] =	vst v10  }
0x2d: {  	v10 =	vld.idx.msk [tilespmem:v11+s3+$0x0], $0xffff  }
0x2e: {  	s15 =	sadd.s32 $0x10, s15;
	s16 =	sadd.s32 $0x1, s13  }
0x2f: {  	v11 =	vadd.s32 s16, v0;
	_ =	sdelay $0x2  }
0x30: {  	s14 =	sand.u32 $0xF0, s14  }
0x31: {  	[tilespmem:s14+$0xA00] =	vst v10  }
0x32: {  	v10 =	vld.idx.msk [tilespmem:v11+s3+$0x0], $0xffff;
	_ =	sdelay $0x3  }
0x33: {  	s31 =	sand.u32 $0xF0, s13;
	s13 =	simm.s32 $0x0;
	v9 =	vbroadcast v9, $0x0  }
0x34: {  	s15 =	sand.u32 $0x1F0, s13;
	s14 =	simm.s32 $0x10;
	[tilespmem:s31+$0xA00] =	vst v10  }
.LBB2_4:
0x35: {  	p0 =	sne.s32 s14, $0x170;
	[tilespmem:s15+$0xB00] =	vst v9;
	s15 =	smov.u32 s14;
	s14 =	sadd.s32 $0x10, s14  }
.Ltmp1:
0x36: {  	(pc) =	sbr.rel @p0 .LBB2_4-.Ltmp1, $2  }
0x37: {  	_ =	sdelay $0x2  }
0x38: {  	s15 =	sand.u32 $0x1F0, s15  }
0x39: {  	s14 =	sand.u32 $0x70, s13;
	s16 =	sand.u32 $0x400, s13  }
0x3a: {  	[tilespmem:s15+$0xB00] =	vst v9;
	s31 =	sor.u32 s14, s16  }
0x3b: {  	[tilespmem:s31+$0x3080] =	vst v9  }
0x3c: {  	s14 =	simm.s32 $0x10;
	[tilespmem:s31+$0x2880] =	vst v8  }
.LBB2_6:
0x3d: {  	p0 =	sne.s32 s14, $0xF0  }
.Ltmp2:
0x3e: {  	s15 =	sand.u32 $0x70, s14;
	s13 =	sadd.s32 $0x80, s13;
	(pc) =	sbr.rel @p0 .LBB2_6-.Ltmp2, $4  }
0x3f: {  	s14 =	sadd.s32 $0x10, s14;
	s16 =	sand.u32 $0x400, s13  }
0x40: {  	s15 =	sor.u32 s15, s16  }
0x41: {  	[tilespmem:s15+$0x3080] =	vst v9  }
0x42: {  	[tilespmem:s15+$0x2880] =	vst v8  }
0x43: {  	v8 =	vld.msk [tilespmem:$0x110 ss:$0x0], $0xffff;
	_ =	sdelay $0x2  }
0x44: {  	s13 =	simm.s32 $0x0  }
0x45: {  	v9 =	vld [tilespmem:$0x210];
	s14 =	simm.s32 $0x10;
	s15 =	sand.u32 $0x1F0, s13  }
.LBB2_8:
0x46: {  	p0 =	sne.s32 s14, $0x170;
	[tilespmem:s15+$0xC80] =	vst v8;
	s15 =	smov.u32 s14;
	s14 =	sadd.s32 $0x10, s14  }
.Ltmp3:
0x47: {  	(pc) =	sbr.rel @p0 .LBB2_8-.Ltmp3, $2  }
0x48: {  	_ =	sdelay $0x2  }
0x49: {  	s15 =	sand.u32 $0x1F0, s15  }
0x4a: {  	s14 =	simm.s32 $0x111  }
0x4b: {  	v10 =	vadd.s32 s14, v0;
	_ =	sdelay $0x3  }
0x4c: {  	[tilespmem:s15+$0xC80] =	vst v8  }
0x4d: {  	s16 =	simm.s32 $0x121;
	s15 =	simm.s32 $0x20;
	s14 =	simm.s32 $0x10;
	v10 =	vld.idx.msk [tilespmem:v10+s3+$0x0], $0xffff  }
.LBB2_10:
0x4e: {  	p0 =	sne.s32 s15, $0xF0;
	v11 =	vadd.s32 s16, v0;
	_ =	sdelay $0x1  }
.Ltmp4:
0x4f: {  	(pc) =	sbr.rel @p0 .LBB2_10-.Ltmp4, $4  }
0x50: {  	s16 =	sand.u32 $0xF0, s13;
	s13 =	smov.u32 s14;
	s14 =	smov.u32 s15  }
0x51: {  	[tilespmem:s16+$0xE00] =	vst v10  }
0x52: {  	v10 =	vld.idx.msk [tilespmem:v11+s3+$0x0], $0xffff  }
0x53: {  	s15 =	sadd.s32 $0x10, s15;
	s16 =	sadd.s32 $0x111, s14  }
0x54: {  	v11 =	vadd.s32 s16, v0;
	_ =	sdelay $0x2  }
0x55: {  	s13 =	sand.u32 $0xF0, s13  }
0x56: {  	[tilespmem:s13+$0xE00] =	vst v10  }
0x57: {  	v10 =	vld.idx.msk [tilespmem:v11+s3+$0x0], $0xffff;
	_ =	sdelay $0x3  }
0x58: {  	s14 =	sand.u32 $0xF0, s14;
	v9 =	vbroadcast v9, $0x0;
	s13 =	simm.s32 $0x0  }
0x59: {  	s15 =	sand.u32 $0x1F0, s13;
	[tilespmem:s14+$0xE00] =	vst v10;
	s14 =	simm.s32 $0x10  }
.LBB2_12:
0x5a: {  	p0 =	sne.s32 s14, $0x170;
	[tilespmem:s15+$0xF00] =	vst v9;
	s15 =	smov.u32 s14;
	s14 =	sadd.s32 $0x10, s14  }
.Ltmp5:
0x5b: {  	(pc) =	sbr.rel @p0 .LBB2_12-.Ltmp5, $2  }
0x5c: {  	_ =	sdelay $0x2  }
0x5d: {  	s15 =	sand.u32 $0x1F0, s15  }
0x5e: {  	s14 =	sand.u32 $0x70, s13;
	s16 =	sand.u32 $0x400, s13  }
0x5f: {  	[tilespmem:s15+$0xF00] =	vst v9;
	s31 =	sor.u32 s14, s16  }
0x60: {  	[tilespmem:s31+$0x3100] =	vst v9  }
0x61: {  	s14 =	simm.s32 $0x10;
	[tilespmem:s31+$0x2900] =	vst v8  }
.LBB2_14:
0x62: {  	p0 =	sne.s32 s14, $0xF0  }
.Ltmp6:
0x63: {  	s15 =	sand.u32 $0x70, s14;
	s13 =	sadd.s32 $0x80, s13;
	(pc) =	sbr.rel @p0 .LBB2_14-.Ltmp6, $4  }
0x64: {  	s14 =	sadd.s32 $0x10, s14;
	s16 =	sand.u32 $0x400, s13  }
0x65: {  	s15 =	sor.u32 s15, s16  }
0x66: {  	[tilespmem:s15+$0x3100] =	vst v9  }
0x67: {  	[tilespmem:s15+$0x2900] =	vst v8  }
0x68: {  	v8 =	vld.msk [tilespmem:$0x220 ss:$0x0], $0xffff;
	_ =	sdelay $0x2  }
0x69: {  	s13 =	simm.s32 $0x0  }
0x6a: {  	v9 =	vld [tilespmem:$0x320];
	s14 =	simm.s32 $0x10;
	s15 =	sand.u32 $0x1F0, s13  }
.LBB2_16:
0x6b: {  	p0 =	sne.s32 s14, $0x170;
	[tilespmem:s15+$0x1080] =	vst v8;
	s15 =	smov.u32 s14;
	s14 =	sadd.s32 $0x10, s14  }
.Ltmp7:
0x6c: {  	(pc) =	sbr.rel @p0 .LBB2_16-.Ltmp7, $2  }
0x6d: {  	_ =	sdelay $0x2  }
0x6e: {  	s15 =	sand.u32 $0x1F0, s15  }
0x6f: {  	s14 =	simm.s32 $0x221  }
0x70: {  	v10 =	vadd.s32 s14, v0;
	_ =	sdelay $0x3  }
0x71: {  	[tilespmem:s15+$0x1080] =	vst v8  }
0x72: {  	s16 =	simm.s32 $0x231;
	s15 =	simm.s32 $0x20;
	s14 =	simm.s32 $0x10;
	v10 =	vld.idx.msk [tilespmem:v10+s3+$0x0], $0xffff  }
.LBB2_18:
0x73: {  	p0 =	sne.s32 s15, $0xF0;
	v11 =	vadd.s32 s16, v0;
	_ =	sdelay $0x1  }
.Ltmp8:
0x74: {  	(pc) =	sbr.rel @p0 .LBB2_18-.Ltmp8, $4  }
0x75: {  	s16 =	sand.u32 $0xF0, s13;
	s13 =	smov.u32 s14;
	s14 =	smov.u32 s15  }
0x76: {  	[tilespmem:s16+$0x1200] =	vst v10  }
0x77: {  	v10 =	vld.idx.msk [tilespmem:v11+s3+$0x0], $0xffff  }
0x78: {  	s15 =	sadd.s32 $0x10, s15;
	s16 =	sadd.s32 $0x221, s14  }
0x79: {  	v11 =	vadd.s32 s16, v0;
	_ =	sdelay $0x2  }
0x7a: {  	s13 =	sand.u32 $0xF0, s13  }
0x7b: {  	[tilespmem:s13+$0x1200] =	vst v10  }
0x7c: {  	v10 =	vld.idx.msk [tilespmem:v11+s3+$0x0], $0xffff;
	_ =	sdelay $0x3  }
0x7d: {  	s14 =	sand.u32 $0xF0, s14;
	v9 =	vbroadcast v9, $0x0;
	s13 =	simm.s32 $0x0  }
0x7e: {  	s15 =	sand.u32 $0x1F0, s13;
	[tilespmem:s14+$0x1200] =	vst v10;
	s14 =	simm.s32 $0x10  }
.LBB2_20:
0x7f: {  	p0 =	sne.s32 s14, $0x170;
	[tilespmem:s15+$0x1300] =	vst v9;
	s15 =	smov.u32 s14;
	s14 =	sadd.s32 $0x10, s14  }
.Ltmp9:
0x80: {  	(pc) =	sbr.rel @p0 .LBB2_20-.Ltmp9, $2  }
0x81: {  	_ =	sdelay $0x2  }
0x82: {  	s15 =	sand.u32 $0x1F0, s15  }
0x83: {  	s14 =	sand.u32 $0x70, s13;
	s16 =	sand.u32 $0x400, s13  }
0x84: {  	[tilespmem:s15+$0x1300] =	vst v9;
	s31 =	sor.u32 s14, s16  }
0x85: {  	[tilespmem:s31+$0x3180] =	vst v9  }
0x86: {  	s14 =	simm.s32 $0x10;
	[tilespmem:s31+$0x2980] =	vst v8  }
.LBB2_22:
0x87: {  	p0 =	sne.s32 s14, $0xF0  }
.Ltmp10:
0x88: {  	s15 =	sand.u32 $0x70, s14;
	s13 =	sadd.s32 $0x80, s13;
	(pc) =	sbr.rel @p0 .LBB2_22-.Ltmp10, $4  }
0x89: {  	s14 =	sadd.s32 $0x10, s14;
	s16 =	sand.u32 $0x400, s13  }
0x8a: {  	s15 =	sor.u32 s15, s16  }
0x8b: {  	[tilespmem:s15+$0x3180] =	vst v9  }
0x8c: {  	[tilespmem:s15+$0x2980] =	vst v8  }
0x8d: {  	v8 =	vld.msk [tilespmem:$0x330 ss:$0x0], $0xffff;
	_ =	sdelay $0x2  }
0x8e: {  	s13 =	simm.s32 $0x0  }
0x8f: {  	v9 =	vld [tilespmem:$0x430];
	s14 =	simm.s32 $0x10;
	s15 =	sand.u32 $0x1F0, s13  }
.LBB2_24:
0x90: {  	p0 =	sne.s32 s14, $0x170;
	[tilespmem:s15+$0x1480] =	vst v8;
	s15 =	smov.u32 s14;
	s14 =	sadd.s32 $0x10, s14  }
.Ltmp11:
0x91: {  	(pc) =	sbr.rel @p0 .LBB2_24-.Ltmp11, $2  }
0x92: {  	_ =	sdelay $0x2  }
0x93: {  	s15 =	sand.u32 $0x1F0, s15  }
0x94: {  	s14 =	simm.s32 $0x331  }
0x95: {  	v10 =	vadd.s32 s14, v0;
	_ =	sdelay $0x3  }
0x96: {  	[tilespmem:s15+$0x1480] =	vst v8  }
0x97: {  	s16 =	simm.s32 $0x341;
	s15 =	simm.s32 $0x20;
	s14 =	simm.s32 $0x10;
	v10 =	vld.idx.msk [tilespmem:v10+s3+$0x0], $0xffff  }
.LBB2_26:
0x98: {  	p0 =	sne.s32 s15, $0xF0;
	v11 =	vadd.s32 s16, v0;
	_ =	sdelay $0x1  }
.Ltmp12:
0x99: {  	(pc) =	sbr.rel @p0 .LBB2_26-.Ltmp12, $4  }
0x9a: {  	s16 =	sand.u32 $0xF0, s13;
	s13 =	smov.u32 s14;
	s14 =	smov.u32 s15  }
0x9b: {  	[tilespmem:s16+$0x1600] =	vst v10  }
0x9c: {  	v10 =	vld.idx.msk [tilespmem:v11+s3+$0x0], $0xffff  }
0x9d: {  	s15 =	sadd.s32 $0x10, s15;
	s16 =	sadd.s32 $0x331, s14  }
0x9e: {  	v11 =	vadd.s32 s16, v0;
	_ =	sdelay $0x2  }
0x9f: {  	s13 =	sand.u32 $0xF0, s13  }
0xa0: {  	[tilespmem:s13+$0x1600] =	vst v10  }
0xa1: {  	v10 =	vld.idx.msk [tilespmem:v11+s3+$0x0], $0xffff;
	_ =	sdelay $0x3  }
0xa2: {  	s14 =	sand.u32 $0xF0, s14;
	v9 =	vbroadcast v9, $0x0;
	s13 =	simm.s32 $0x0  }
0xa3: {  	s15 =	sand.u32 $0x1F0, s13;
	[tilespmem:s14+$0x1600] =	vst v10;
	s14 =	simm.s32 $0x10  }
.LBB2_28:
0xa4: {  	p0 =	sne.s32 s14, $0x170;
	[tilespmem:s15+$0x1700] =	vst v9;
	s15 =	smov.u32 s14;
	s14 =	sadd.s32 $0x10, s14  }
.Ltmp13:
0xa5: {  	(pc) =	sbr.rel @p0 .LBB2_28-.Ltmp13, $2  }
0xa6: {  	_ =	sdelay $0x2  }
0xa7: {  	s15 =	sand.u32 $0x1F0, s15  }
0xa8: {  	s14 =	sand.u32 $0x70, s13;
	s16 =	sand.u32 $0x400, s13  }
0xa9: {  	[tilespmem:s15+$0x1700] =	vst v9;
	s31 =	sor.u32 s14, s16  }
0xaa: {  	[tilespmem:s31+$0x3200] =	vst v9  }
0xab: {  	s14 =	simm.s32 $0x10;
	[tilespmem:s31+$0x2A00] =	vst v8  }
.LBB2_30:
0xac: {  	p0 =	sne.s32 s14, $0xF0  }
.Ltmp14:
0xad: {  	s15 =	sand.u32 $0x70, s14;
	s13 =	sadd.s32 $0x80, s13;
	(pc) =	sbr.rel @p0 .LBB2_30-.Ltmp14, $4  }
0xae: {  	s14 =	sadd.s32 $0x10, s14;
	s16 =	sand.u32 $0x400, s13  }
0xaf: {  	s15 =	sor.u32 s15, s16  }
0xb0: {  	[tilespmem:s15+$0x3200] =	vst v9  }
0xb1: {  	[tilespmem:s15+$0x2A00] =	vst v8  }
0xb2: {  	v8 =	vld.msk [tilespmem:$0x440 ss:$0x0], $0xffff;
	_ =	sdelay $0x2  }
0xb3: {  	s13 =	simm.s32 $0x0  }
0xb4: {  	v9 =	vld [tilespmem:$0x540];
	s14 =	simm.s32 $0x10;
	s15 =	sand.u32 $0x1F0, s13  }
.LBB2_32:
0xb5: {  	p0 =	sne.s32 s14, $0x170;
	[tilespmem:s15+$0x1880] =	vst v8;
	s15 =	smov.u32 s14;
	s14 =	sadd.s32 $0x10, s14  }
.Ltmp15:
0xb6: {  	(pc) =	sbr.rel @p0 .LBB2_32-.Ltmp15, $2  }
0xb7: {  	_ =	sdelay $0x2  }
0xb8: {  	s15 =	sand.u32 $0x1F0, s15  }
0xb9: {  	s14 =	simm.s32 $0x441  }
0xba: {  	v10 =	vadd.s32 s14, v0;
	_ =	sdelay $0x3  }
0xbb: {  	[tilespmem:s15+$0x1880] =	vst v8  }
0xbc: {  	s16 =	simm.s32 $0x451;
	s15 =	simm.s32 $0x20;
	s14 =	simm.s32 $0x10;
	v10 =	vld.idx.msk [tilespmem:v10+s3+$0x0], $0xffff  }
.LBB2_34:
0xbd: {  	p0 =	sne.s32 s15, $0xF0;
	v11 =	vadd.s32 s16, v0;
	_ =	sdelay $0x1  }
.Ltmp16:
0xbe: {  	(pc) =	sbr.rel @p0 .LBB2_34-.Ltmp16, $4  }
0xbf: {  	s16 =	sand.u32 $0xF0, s13;
	s13 =	smov.u32 s14;
	s14 =	smov.u32 s15  }
0xc0: {  	[tilespmem:s16+$0x1A00] =	vst v10  }
0xc1: {  	v10 =	vld.idx.msk [tilespmem:v11+s3+$0x0], $0xffff  }
0xc2: {  	s15 =	sadd.s32 $0x10, s15;
	s16 =	sadd.s32 $0x441, s14  }
0xc3: {  	v11 =	vadd.s32 s16, v0;
	_ =	sdelay $0x2  }
0xc4: {  	s13 =	sand.u32 $0xF0, s13  }
0xc5: {  	[tilespmem:s13+$0x1A00] =	vst v10  }
0xc6: {  	v10 =	vld.idx.msk [tilespmem:v11+s3+$0x0], $0xffff;
	_ =	sdelay $0x3  }
0xc7: {  	s14 =	sand.u32 $0xF0, s14;
	v9 =	vbroadcast v9, $0x0;
	s13 =	simm.s32 $0x0  }
0xc8: {  	s15 =	sand.u32 $0x1F0, s13;
	[tilespmem:s14+$0x1A00] =	vst v10;
	s14 =	simm.s32 $0x10  }
.LBB2_36:
0xc9: {  	p0 =	sne.s32 s14, $0x170;
	[tilespmem:s15+$0x1B00] =	vst v9;
	s15 =	smov.u32 s14;
	s14 =	sadd.s32 $0x10, s14  }
.Ltmp17:
0xca: {  	(pc) =	sbr.rel @p0 .LBB2_36-.Ltmp17, $2  }
0xcb: {  	_ =	sdelay $0x2  }
0xcc: {  	s15 =	sand.u32 $0x1F0, s15  }
0xcd: {  	s14 =	sand.u32 $0x70, s13;
	s16 =	sand.u32 $0x400, s13  }
0xce: {  	[tilespmem:s15+$0x1B00] =	vst v9;
	s31 =	sor.u32 s14, s16  }
0xcf: {  	[tilespmem:s31+$0x3280] =	vst v9  }
0xd0: {  	s14 =	simm.s32 $0x10;
	[tilespmem:s31+$0x2A80] =	vst v8  }
.LBB2_38:
0xd1: {  	p0 =	sne.s32 s14, $0xF0  }
.Ltmp18:
0xd2: {  	s15 =	sand.u32 $0x70, s14;
	s13 =	sadd.s32 $0x80, s13;
	(pc) =	sbr.rel @p0 .LBB2_38-.Ltmp18, $4  }
0xd3: {  	s14 =	sadd.s32 $0x10, s14;
	s16 =	sand.u32 $0x400, s13  }
0xd4: {  	s15 =	sor.u32 s15, s16  }
0xd5: {  	[tilespmem:s15+$0x3280] =	vst v9  }
0xd6: {  	[tilespmem:s15+$0x2A80] =	vst v8  }
0xd7: {  	v8 =	vld.msk [tilespmem:$0x550 ss:$0x0], $0xffff;
	_ =	sdelay $0x2  }
0xd8: {  	s13 =	simm.s32 $0x0  }
0xd9: {  	v9 =	vld [tilespmem:$0x650];
	s14 =	simm.s32 $0x10;
	s15 =	sand.u32 $0x1F0, s13  }
.LBB2_40:
0xda: {  	p0 =	sne.s32 s14, $0x170;
	[tilespmem:s15+$0x1C80] =	vst v8;
	s15 =	smov.u32 s14;
	s14 =	sadd.s32 $0x10, s14  }
.Ltmp19:
0xdb: {  	(pc) =	sbr.rel @p0 .LBB2_40-.Ltmp19, $2  }
0xdc: {  	_ =	sdelay $0x2  }
0xdd: {  	s15 =	sand.u32 $0x1F0, s15  }
0xde: {  	s14 =	simm.s32 $0x551  }
0xdf: {  	v10 =	vadd.s32 s14, v0;
	_ =	sdelay $0x3  }
0xe0: {  	[tilespmem:s15+$0x1C80] =	vst v8  }
0xe1: {  	s16 =	simm.s32 $0x561;
	s15 =	simm.s32 $0x20;
	s14 =	simm.s32 $0x10;
	v10 =	vld.idx.msk [tilespmem:v10+s3+$0x0], $0xffff  }
.LBB2_42:
0xe2: {  	p0 =	sne.s32 s15, $0xF0;
	v11 =	vadd.s32 s16, v0;
	_ =	sdelay $0x1  }
.Ltmp20:
0xe3: {  	(pc) =	sbr.rel @p0 .LBB2_42-.Ltmp20, $4  }
0xe4: {  	s16 =	sand.u32 $0xF0, s13;
	s13 =	smov.u32 s14;
	s14 =	smov.u32 s15  }
0xe5: {  	[tilespmem:s16+$0x1E00] =	vst v10  }
0xe6: {  	v10 =	vld.idx.msk [tilespmem:v11+s3+$0x0], $0xffff  }
0xe7: {  	s15 =	sadd.s32 $0x10, s15;
	s16 =	sadd.s32 $0x551, s14  }
0xe8: {  	v11 =	vadd.s32 s16, v0;
	_ =	sdelay $0x2  }
0xe9: {  	s13 =	sand.u32 $0xF0, s13  }
0xea: {  	[tilespmem:s13+$0x1E00] =	vst v10  }
0xeb: {  	v10 =	vld.idx.msk [tilespmem:v11+s3+$0x0], $0xffff;
	_ =	sdelay $0x3  }
0xec: {  	s14 =	sand.u32 $0xF0, s14;
	v9 =	vbroadcast v9, $0x0;
	s13 =	simm.s32 $0x0  }
0xed: {  	s15 =	sand.u32 $0x1F0, s13;
	[tilespmem:s14+$0x1E00] =	vst v10;
	s14 =	simm.s32 $0x10  }
.LBB2_44:
0xee: {  	p0 =	sne.s32 s14, $0x170;
	[tilespmem:s15+$0x1F00] =	vst v9;
	s15 =	smov.u32 s14;
	s14 =	sadd.s32 $0x10, s14  }
.Ltmp21:
0xef: {  	(pc) =	sbr.rel @p0 .LBB2_44-.Ltmp21, $2  }
0xf0: {  	_ =	sdelay $0x2  }
0xf1: {  	s15 =	sand.u32 $0x1F0, s15  }
0xf2: {  	s14 =	sand.u32 $0x70, s13;
	s16 =	sand.u32 $0x400, s13  }
0xf3: {  	[tilespmem:s15+$0x1F00] =	vst v9;
	s31 =	sor.u32 s14, s16  }
0xf4: {  	[tilespmem:s31+$0x3300] =	vst v9  }
0xf5: {  	s14 =	simm.s32 $0x10;
	[tilespmem:s31+$0x2B00] =	vst v8  }
.LBB2_46:
0xf6: {  	p0 =	sne.s32 s14, $0xF0  }
.Ltmp22:
0xf7: {  	s15 =	sand.u32 $0x70, s14;
	s13 =	sadd.s32 $0x80, s13;
	(pc) =	sbr.rel @p0 .LBB2_46-.Ltmp22, $4  }
0xf8: {  	s14 =	sadd.s32 $0x10, s14;
	s16 =	sand.u32 $0x400, s13  }
0xf9: {  	s15 =	sor.u32 s15, s16  }
0xfa: {  	[tilespmem:s15+$0x3300] =	vst v9  }
0xfb: {  	[tilespmem:s15+$0x2B00] =	vst v8  }
0xfc: {  	v8 =	vld.msk [tilespmem:$0x660 ss:$0x0], $0xffff;
	_ =	sdelay $0x2  }
0xfd: {  	s13 =	simm.s32 $0x0  }
0xfe: {  	v9 =	vld [tilespmem:$0x760];
	s14 =	simm.s32 $0x10;
	s15 =	sand.u32 $0x1F0, s13  }
.LBB2_48:
0xff: {  	p0 =	sne.s32 s14, $0x170;
	[tilespmem:s15+$0x2080] =	vst v8;
	s15 =	smov.u32 s14;
	s14 =	sadd.s32 $0x10, s14  }
.Ltmp23:
0x100: {  	(pc) =	sbr.rel @p0 .LBB2_48-.Ltmp23, $2  }
0x101: {  	_ =	sdelay $0x2  }
0x102: {  	s15 =	sand.u32 $0x1F0, s15  }
0x103: {  	s14 =	simm.s32 $0x661  }
0x104: {  	v10 =	vadd.s32 s14, v0;
	_ =	sdelay $0x3  }
0x105: {  	[tilespmem:s15+$0x2080] =	vst v8  }
0x106: {  	s16 =	simm.s32 $0x671;
	s15 =	simm.s32 $0x20;
	s14 =	simm.s32 $0x10;
	v10 =	vld.idx.msk [tilespmem:v10+s3+$0x0], $0xffff  }
.LBB2_50:
0x107: {  	p0 =	sne.s32 s15, $0xF0;
	v11 =	vadd.s32 s16, v0;
	_ =	sdelay $0x1  }
.Ltmp24:
0x108: {  	(pc) =	sbr.rel @p0 .LBB2_50-.Ltmp24, $4  }
0x109: {  	s16 =	sand.u32 $0xF0, s13;
	s13 =	smov.u32 s14;
	s14 =	smov.u32 s15  }
0x10a: {  	[tilespmem:s16+$0x2200] =	vst v10  }
0x10b: {  	v10 =	vld.idx.msk [tilespmem:v11+s3+$0x0], $0xffff  }
0x10c: {  	s15 =	sadd.s32 $0x10, s15;
	s16 =	sadd.s32 $0x661, s14  }
0x10d: {  	v11 =	vadd.s32 s16, v0;
	_ =	sdelay $0x2  }
0x10e: {  	s13 =	sand.u32 $0xF0, s13  }
0x10f: {  	[tilespmem:s13+$0x2200] =	vst v10  }
0x110: {  	v10 =	vld.idx.msk [tilespmem:v11+s3+$0x0], $0xffff;
	_ =	sdelay $0x3  }
0x111: {  	s14 =	sand.u32 $0xF0, s14;
	v9 =	vbroadcast v9, $0x0;
	s13 =	simm.s32 $0x0  }
0x112: {  	s15 =	sand.u32 $0x1F0, s13;
	[tilespmem:s14+$0x2200] =	vst v10;
	s14 =	simm.s32 $0x10  }
.LBB2_52:
0x113: {  	p0 =	sne.s32 s14, $0x170;
	[tilespmem:s15+$0x2300] =	vst v9;
	s15 =	smov.u32 s14;
	s14 =	sadd.s32 $0x10, s14  }
.Ltmp25:
0x114: {  	(pc) =	sbr.rel @p0 .LBB2_52-.Ltmp25, $2  }
0x115: {  	_ =	sdelay $0x2  }
0x116: {  	s15 =	sand.u32 $0x1F0, s15  }
0x117: {  	s14 =	sand.u32 $0x70, s13;
	s16 =	sand.u32 $0x400, s13  }
0x118: {  	[tilespmem:s15+$0x2300] =	vst v9;
	s31 =	sor.u32 s14, s16  }
0x119: {  	[tilespmem:s31+$0x3380] =	vst v9  }
0x11a: {  	s14 =	simm.s32 $0x10;
	[tilespmem:s31+$0x2B80] =	vst v8  }
.LBB2_54:
0x11b: {  	p0 =	sne.s32 s14, $0xF0  }
.Ltmp26:
0x11c: {  	s15 =	sand.u32 $0x70, s14;
	s13 =	sadd.s32 $0x80, s13;
	(pc) =	sbr.rel @p0 .LBB2_54-.Ltmp26, $4  }
0x11d: {  	s14 =	sadd.s32 $0x10, s14;
	s16 =	sand.u32 $0x400, s13  }
0x11e: {  	s15 =	sor.u32 s15, s16  }
0x11f: {  	[tilespmem:s15+$0x3380] =	vst v9  }
0x120: {  	[tilespmem:s15+$0x2B80] =	vst v8  }
0x121: {  	v8 =	vld.msk [tilespmem:$0x770 ss:$0x0], $0xffff;
	_ =	sdelay $0x2  }
0x122: {  	s13 =	simm.s32 $0x0  }
0x123: {  	v9 =	vld [tilespmem:$0x870];
	s14 =	simm.s32 $0x10;
	s15 =	sand.u32 $0x1F0, s13  }
.LBB2_56:
0x124: {  	p0 =	sne.s32 s14, $0x170;
	[tilespmem:s15+$0x2480] =	vst v8;
	s15 =	smov.u32 s14;
	s14 =	sadd.s32 $0x10, s14  }
.Ltmp27:
0x125: {  	(pc) =	sbr.rel @p0 .LBB2_56-.Ltmp27, $2  }
0x126: {  	_ =	sdelay $0x2  }
0x127: {  	s15 =	sand.u32 $0x1F0, s15  }
0x128: {  	s14 =	simm.s32 $0x771  }
0x129: {  	v10 =	vadd.s32 s14, v0;
	_ =	sdelay $0x3  }
0x12a: {  	[tilespmem:s15+$0x2480] =	vst v8  }
0x12b: {  	s16 =	simm.s32 $0x781;
	s15 =	simm.s32 $0x20;
	s14 =	simm.s32 $0x10;
	v10 =	vld.idx.msk [tilespmem:v10+s3+$0x0], $0xffff  }
.LBB2_58:
0x12c: {  	p0 =	sne.s32 s15, $0xF0;
	v11 =	vadd.s32 s16, v0;
	_ =	sdelay $0x1  }
.Ltmp28:
0x12d: {  	(pc) =	sbr.rel @p0 .LBB2_58-.Ltmp28, $4  }
0x12e: {  	s16 =	sand.u32 $0xF0, s13;
	s13 =	smov.u32 s14;
	s14 =	smov.u32 s15  }
0x12f: {  	[tilespmem:s16+$0x2600] =	vst v10  }
0x130: {  	v10 =	vld.idx.msk [tilespmem:v11+s3+$0x0], $0xffff  }
0x131: {  	s15 =	sadd.s32 $0x10, s15;
	s16 =	sadd.s32 $0x771, s14  }
0x132: {  	v11 =	vadd.s32 s16, v0;
	_ =	sdelay $0x2  }
0x133: {  	s13 =	sand.u32 $0xF0, s13  }
0x134: {  	[tilespmem:s13+$0x2600] =	vst v10  }
0x135: {  	v10 =	vld.idx.msk [tilespmem:v11+s3+$0x0], $0xffff;
	_ =	sdelay $0x3  }
0x136: {  	s31 =	sand.u32 $0xF0, s14;
	s14 =	simm.s32 $0x0;
	v9 =	vbroadcast v9, $0x0  }
0x137: {  	s15 =	sand.u32 $0x1F0, s14;
	s13 =	simm.s32 $0x10;
	[tilespmem:s31+$0x2600] =	vst v10  }
.LBB2_60:
0x138: {  	p0 =	sne.s32 s13, $0x170;
	[tilespmem:s15+$0x2700] =	vst v9;
	s15 =	smov.u32 s13;
	s13 =	sadd.s32 $0x10, s13  }
.Ltmp29:
0x139: {  	(pc) =	sbr.rel @p0 .LBB2_60-.Ltmp29, $2  }
0x13a: {  	_ =	sdelay $0x2  }
0x13b: {  	s15 =	sand.u32 $0x1F0, s15  }
0x13c: {  	s13 =	sor.u32 s14, s14  }
0x13d: {  	[tilespmem:s15+$0x2700] =	vst v9;
	s16 =	sand.u32 $0x70, s14;
	s17 =	sand.u32 $0x400, s14;
	s13 =	sor.u32 $0x380, s13  }
0x13e: {  	s15 =	simm.s32 $0x10;
	s16 =	sor.u32 s16, s17;
	[tilespmem:s13+$0x2880] =	vst v8  }
.LBB2_62:
0x13f: {  	p0 =	sne.s32 s15, $0xF0  }
0x140: {  	[tilespmem:s16+$0x3400] =	vst v9;
	s14 =	sadd.s32 $0x80, s14;
	s13 =	smov.u32 s15;
	s15 =	sadd.s32 $0x10, s15  }
.Ltmp30:
0x141: {  	(pc) =	sbr.rel @p0 .LBB2_62-.Ltmp30, $4  }
0x142: {  	_ = 	snop  }
0x143: {  	s16 =	sor.u32 s14, s13  }
0x144: {  	s13 =	sand.u32 $0x70, s13;
	s17 =	sand.u32 $0x400, s14;
	s16 =	sor.u32 $0x380, s16  }
0x145: {  	[tilespmem:s16+$0x2880] =	vst v8;
	s16 =	sor.u32 s13, s17;
	s13 =	simm.s32 $0x0  }
0x146: {  	[tilespmem:s16+$0x3400] =	vst v9;
	s14 =	smov.u32 s4;
	s15 =	smov.u32 s8;
	s16 =	simm.s32 $0x0  }
.LBB2_64:
0x147: {  	s17 =	sor.u32 s4, s16  }
0x148: {  	p0 =	sgt.s32 s17, $0x80;
	s18 =	smov.u32 s17  }
0x149: {  	s18 =	simm.s32 @!p0 $0x80  }
0x14a: {  	s18 =	smin.u32 s18, $0x680  }
0x14b: {  	s19 =	sadd.s32 $0xFFFFFF80, s18  }
0x14c: {  	s18 =	sand.u32 $0xFF, s19  }
0x14d: {  	p6 =	slt.u32 s17, $0x81;
	p1 =	sne.s32 s18, $0x0  }
0x14e: {  	s20 =	simm.s32 $0xFFFFFFFF;
	p0 =	por !p6, !p1  }
0x14f: {  	s18 =	smov.u32 s14;
	p1 =	sgt.s32 s14, $0x80;
	p0 =	por !p0, !p0  }
0x150: {  	s18 =	simm.s32 @!p1 $0x80;
	s20 =	simm.s32 @!p0 $0x0  }
0x151: {  	s18 =	smin.u32 s18, $0x680;
	s21 =	sshll.u32 s20, $0x8  }
0x152: {  	s18 =	sadd.s32 s21, s18  }
0x153: {  	s18 =	sadd.s32 $0xFFFFFF80, s18  }
0x154: {  	s18 =	sand.u32 $0xFFFFFF00, s18  }
0x155: {  	s20 =	sadd.s32 s18, s15  }
0x156: {  	s23 =	sadd.s32 $0x0, s20  }
0x157: {  	v8 =	vadd.s32 s23, v0  }
0x158: {  	s31 =	smul.u32 $0xAAAB, s16;
	_ =	sdelay $0x1  }
0x159: {  	s18 =	sshrl.u32 s31, $0x11  }
0x15a: {  	s18 =	sadd.s32 s18, s16  }
0x15b: {  	s18 =	sshll.u32 s18, $0xC;
	v8 =	vld.idx.msk [tilespmem:v8+s10+$0x0], $0xffff  }
0x15c: {  	v9 =	vadd.s32 s23, v1;
	s18 =	sand.u32 $0x3000, s18  }
0x15d: {  	s22 =	sand.u32 $0xC00, s13;
	s18 =	sadd.s32 $0x3880, s18  }
0x15e: {  	s24 =	sand.u32 $0x70, s13;
	s22 =	sadd.s32 s22, s18  }
0x15f: {  	s22 =	sadd.s32 s24, s22  }
0x160: {  	[tilespmem:s22+$0x0] =	vst v8  }
0x161: {  	v8 =	vld.idx.msk [tilespmem:v9+s10+$0x0], $0xffff  }
0x162: {  	v9 =	vadd.s32 s23, v2;
	_ =	sdelay $0x3  }
0x163: {  	[tilespmem:s22+$0x80] =	vst v8  }
0x164: {  	v8 =	vld.idx.msk [tilespmem:v9+s10+$0x0], $0xffff  }
0x165: {  	v9 =	vadd.s32 s23, v3;
	_ =	sdelay $0x3  }
0x166: {  	[tilespmem:s22+$0x100] =	vst v8  }
0x167: {  	v8 =	vld.idx.msk [tilespmem:v9+s10+$0x0], $0xffff  }
0x168: {  	v9 =	vadd.s32 s23, v4;
	_ =	sdelay $0x3  }
0x169: {  	[tilespmem:s22+$0x180] =	vst v8  }
0x16a: {  	v8 =	vld.idx.msk [tilespmem:v9+s10+$0x0], $0xffff  }
0x16b: {  	v9 =	vadd.s32 s23, v5;
	_ =	sdelay $0x3  }
0x16c: {  	[tilespmem:s22+$0x200] =	vst v8  }
0x16d: {  	v8 =	vld.idx.msk [tilespmem:v9+s10+$0x0], $0xffff  }
0x16e: {  	v9 =	vadd.s32 s23, v6;
	_ =	sdelay $0x3  }
0x16f: {  	[tilespmem:s22+$0x280] =	vst v8  }
0x170: {  	v8 =	vld.idx.msk [tilespmem:v9+s10+$0x0], $0xffff  }
0x171: {  	v9 =	vadd.s32 s23, v7;
	_ =	sdelay $0x3  }
0x172: {  	s25 =	simm.s32 $0x20;
	s19 =	sadd.s32 s19, s21;
	[tilespmem:s22+$0x300] =	vst v8  }
0x173: {  	s21 =	sadd.s32 $0x10, s20;
	s24 =	simm.s32 $0x0;
	s23 =	simm.s32 $0x10;
	v8 =	vld.idx.msk [tilespmem:v9+s10+$0x0], $0xffff  }
.LBB2_65:
0x174: {  	p0 =	sne.s32 s25, $0x1F0;
	v9 =	vadd.s32 s21, v0;
	_ =	sdelay $0x3  }
0x175: {  	[tilespmem:s22+$0x380] =	vst v8  }
0x176: {  	v8 =	vld.idx.msk [tilespmem:v9+s10+$0x0], $0xffff;
	_ =	sdelay $0x1  }
0x177: {  	s24 =	sadd.s32 $0x80, s24;
	v9 =	vadd.s32 s21, v1  }
0x178: {  	s22 =	sand.u32 $0xC00, s24  }
0x179: {  	s26 =	sand.u32 $0x70, s23;
	s23 =	smov.u32 s25;
	s22 =	sadd.s32 s22, s18  }
0x17a: {  	s22 =	sadd.s32 s26, s22  }
0x17b: {  	[tilespmem:s22+$0x0] =	vst v8  }
0x17c: {  	v8 =	vld.idx.msk [tilespmem:v9+s10+$0x0], $0xffff;
	_ =	sdelay $0x1  }
0x17d: {  	v9 =	vadd.s32 s21, v2;
	_ =	sdelay $0x3  }
0x17e: {  	[tilespmem:s22+$0x80] =	vst v8  }
0x17f: {  	v8 =	vld.idx.msk [tilespmem:v9+s10+$0x0], $0xffff;
	_ =	sdelay $0x1  }
0x180: {  	v9 =	vadd.s32 s21, v3;
	_ =	sdelay $0x3  }
0x181: {  	[tilespmem:s22+$0x100] =	vst v8  }
0x182: {  	v8 =	vld.idx.msk [tilespmem:v9+s10+$0x0], $0xffff;
	_ =	sdelay $0x1  }
0x183: {  	v9 =	vadd.s32 s21, v4;
	_ =	sdelay $0x3  }
0x184: {  	[tilespmem:s22+$0x180] =	vst v8  }
0x185: {  	v8 =	vld.idx.msk [tilespmem:v9+s10+$0x0], $0xffff;
	_ =	sdelay $0x1  }
0x186: {  	v9 =	vadd.s32 s21, v5;
	_ =	sdelay $0x3  }
0x187: {  	[tilespmem:s22+$0x200] =	vst v8  }
0x188: {  	v8 =	vld.idx.msk [tilespmem:v9+s10+$0x0], $0xffff;
	_ =	sdelay $0x1  }
0x189: {  	v9 =	vadd.s32 s21, v6;
	_ =	sdelay $0x3  }
0x18a: {  	[tilespmem:s22+$0x280] =	vst v8  }
0x18b: {  	v8 =	vld.idx.msk [tilespmem:v9+s10+$0x0], $0xffff;
	_ =	sdelay $0x1  }
0x18c: {  	v9 =	vadd.s32 s21, v7;
	_ =	sdelay $0x1  }
.Ltmp31:
0x18d: {  	(pc) =	sbr.rel @p0 .LBB2_65-.Ltmp31, $4  }
0x18e: {  	_ = 	snop  }
0x18f: {  	[tilespmem:s22+$0x300] =	vst v8  }
0x190: {  	v8 =	vld.idx.msk [tilespmem:v9+s10+$0x0], $0xffff  }
0x191: {  	s25 =	sadd.s32 $0x10, s25;
	s21 =	sadd.s32 s23, s20  }
0x192: {  	v9 =	vadd.s32 s21, v0;
	_ =	sdelay $0x3  }
0x193: {  	[tilespmem:s22+$0x380] =	vst v8  }
0x194: {  	v8 =	vld.idx.msk [tilespmem:v9+s10+$0x0], $0xffff  }
0x195: {  	v57 =	vadd.s32 s21, v1;
	s20 =	sadd.s32 $0x80, s24  }
0x196: {  	s20 =	sand.u32 $0xC00, s20  }
0x197: {  	s28 =	sand.u32 $0x70, s23;
	s20 =	sadd.s32 s20, s18  }
0x198: {  	s20 =	sadd.s32 s28, s20  }
0x199: {  	[tilespmem:s20+$0x0] =	vst v8  }
0x19a: {  	v8 =	vld.idx.msk [tilespmem:v57+s10+$0x0], $0xffff  }
0x19b: {  	v58 =	vadd.s32 s21, v2;
	_ =	sdelay $0x3  }
0x19c: {  	[tilespmem:s20+$0x80] =	vst v8  }
0x19d: {  	v8 =	vld.idx.msk [tilespmem:v58+s10+$0x0], $0xffff  }
0x19e: {  	v59 =	vadd.s32 s21, v3;
	_ =	sdelay $0x3  }
0x19f: {  	[tilespmem:s20+$0x100] =	vst v8  }
0x1a0: {  	v8 =	vld.idx.msk [tilespmem:v59+s10+$0x0], $0xffff  }
0x1a1: {  	v60 =	vadd.s32 s21, v4;
	_ =	sdelay $0x3  }
0x1a2: {  	[tilespmem:s20+$0x180] =	vst v8  }
0x1a3: {  	v8 =	vld.idx.msk [tilespmem:v60+s10+$0x0], $0xffff  }
0x1a4: {  	v61 =	vadd.s32 s21, v5;
	_ =	sdelay $0x3  }
0x1a5: {  	[tilespmem:s20+$0x200] =	vst v8  }
0x1a6: {  	v8 =	vld.idx.msk [tilespmem:v61+s10+$0x0], $0xffff  }
0x1a7: {  	v62 =	vadd.s32 s21, v6;
	_ =	sdelay $0x3  }
0x1a8: {  	[tilespmem:s20+$0x280] =	vst v8  }
0x1a9: {  	v8 =	vld.idx.msk [tilespmem:v62+s10+$0x0], $0xffff  }
0x1aa: {  	v63 =	vadd.s32 s21, v7;
	_ =	sdelay $0x3  }
0x1ab: {  	[tilespmem:s20+$0x300] =	vst v8  }
0x1ac: {  	s17 =	sshll.u32 s17, $0x11;
	v8 =	vld.idx.msk [tilespmem:v63+s10+$0x0], $0xffff  }
0x1ad: {  	s17 =	sor.u32 s6, s17  }
0x1ae: {  	s29 =	sshrl.u32 s17, $0x3  }
0x1af: {  	s21 =	sadd.s32 s29, s19  }
0x1b0: {  	s21 =	sand.u32 $0x1FFFFF00, s21  }
0x1b1: {  	s30 =	sshra.s32 s19, $0x8;
	s31 =	sadd.s32 s2, s21;
	[tilespmem:s20+$0x380] =	vst v8  }
0x1b2: {  	[hbm4b:s31+s3] =	stream.linear.scatter [tilespmem:s18], [sflag:$0x1], $0x1000, $0x38;
	[tilespmem:$0x6880] =	vst v63  }
0x1b3: {  	p0 =	sgt.s32 s30, $0x0;
	s18 =	simm.s32 $0x0  }
0x1b4: {  	s18 =	simm.s32 @!p0 $0x1000  }
0x1b5: {  	s18 =	sor.u32 s17, s18  }
0x1b6: {  	s20 =	simm.s32 $0x2880;
	s18 =	sshrl.u32 s18, $0x3  }
0x1b7: {  	s20 =	simm.s32 @!p0 $0x3080;
	s18 =	sadd.s32 s2, s18  }
0x1b8: {  	[hbm4b:s18+s3] =	stream.linear.scatter [tilespmem:s20], [sflag:$0x1], $0x800, $0x38;
	[tilespmem:$0x6880] =	vst v63  }
0x1b9: {  	p0 =	sgt.s32 s30, $0x1;
	s18 =	simm.s32 $0x800  }
0x1ba: {  	s18 =	simm.s32 @!p0 $0x1800  }
0x1bb: {  	s18 =	sor.u32 s17, s18  }
0x1bc: {  	s20 =	simm.s32 $0x2880;
	s18 =	sshrl.u32 s18, $0x3  }
0x1bd: {  	s20 =	simm.s32 @!p0 $0x3080;
	s18 =	sadd.s32 s2, s18  }
0x1be: {  	[hbm4b:s18+s3] =	stream.linear.scatter [tilespmem:s20], [sflag:$0x1], $0x800, $0x38;
	[tilespmem:$0x6880] =	vst v63  }
0x1bf: {  	p0 =	sgt.s32 s30, $0x2;
	s18 =	simm.s32 $0x1000  }
0x1c0: {  	s18 =	simm.s32 @!p0 $0x2000  }
0x1c1: {  	s18 =	sor.u32 s17, s18  }
0x1c2: {  	s20 =	simm.s32 $0x2880;
	s18 =	sshrl.u32 s18, $0x3  }
0x1c3: {  	s20 =	simm.s32 @!p0 $0x3080;
	s18 =	sadd.s32 s2, s18  }
0x1c4: {  	[hbm4b:s18+s3] =	stream.linear.scatter [tilespmem:s20], [sflag:$0x1], $0x800, $0x38;
	[tilespmem:$0x6880] =	vst v63  }
0x1c5: {  	p0 =	sgt.s32 s30, $0x3;
	s18 =	simm.s32 $0x1800  }
0x1c6: {  	s18 =	simm.s32 @!p0 $0x2800  }
0x1c7: {  	s18 =	sor.u32 s17, s18  }
0x1c8: {  	s20 =	simm.s32 $0x2880;
	s18 =	sshrl.u32 s18, $0x3  }
0x1c9: {  	s20 =	simm.s32 @!p0 $0x3080;
	s18 =	sadd.s32 s2, s18  }
0x1ca: {  	[hbm4b:s18+s3] =	stream.linear.scatter [tilespmem:s20], [sflag:$0x1], $0x800, $0x38;
	[tilespmem:$0x6880] =	vst v63  }
0x1cb: {  	p0 =	sgt.s32 s30, $0x4;
	s18 =	simm.s32 $0x2000  }
0x1cc: {  	s18 =	simm.s32 @!p0 $0x3000  }
0x1cd: {  	s18 =	sor.u32 s17, s18  }
0x1ce: {  	s20 =	simm.s32 $0x2880;
	s18 =	sshrl.u32 s18, $0x3  }
0x1cf: {  	s20 =	simm.s32 @!p0 $0x3080;
	s18 =	sadd.s32 s2, s18  }
0x1d0: {  	[hbm4b:s18+s3] =	stream.linear.scatter [tilespmem:s20], [sflag:$0x1], $0x800, $0x38;
	[tilespmem:$0x6880] =	vst v63  }
0x1d1: {  	p0 =	sgt.s32 s30, $0x5;
	s18 =	simm.s32 $0x2800  }
0x1d2: {  	s18 =	simm.s32 @!p0 $0x3800  }
0x1d3: {  	s17 =	sor.u32 s17, s18  }
0x1d4: {  	s18 =	simm.s32 $0x2880;
	s17 =	sshrl.u32 s17, $0x3  }
0x1d5: {  	s18 =	simm.s32 @!p0 $0x3080;
	p0 =	slt.u32 s16, $0x2;
	s17 =	sadd.s32 s2, s17  }
0x1d6: {  	[hbm4b:s17+s3] =	stream.linear.scatter [tilespmem:s18], [sflag:$0x1], $0x800, $0x38;
	[tilespmem:$0x6880] =	vst v63  }
0x1d7: {  	s17 =	simm.s32 @!p0 $0x1  }
0x1d8: {  	_ =	swait.ge @!p0 [sflag:s17], $0x1000  }
0x1d9: {  	[sflag:s17] =	ssyncset.done @!p0 $0x0  }
0x1da: {  	[sflag:s17] =	ssyncadd.s32 @!p0 $0xFFFFF000  }
0x1db: {  	_ =	swait.ge @!p0 [sflag:s17], $0x800  }
0x1dc: {  	[sflag:s17] =	ssyncset.done @!p0 $0x0  }
0x1dd: {  	[sflag:s17] =	ssyncadd.s32 @!p0 $0xFFFFF800  }
0x1de: {  	_ =	swait.ge @!p0 [sflag:s17], $0x800  }
0x1df: {  	[sflag:s17] =	ssyncset.done @!p0 $0x0  }
0x1e0: {  	[sflag:s17] =	ssyncadd.s32 @!p0 $0xFFFFF800  }
0x1e1: {  	_ =	swait.ge @!p0 [sflag:s17], $0x800  }
0x1e2: {  	[sflag:s17] =	ssyncset.done @!p0 $0x0  }
0x1e3: {  	[sflag:s17] =	ssyncadd.s32 @!p0 $0xFFFFF800  }
0x1e4: {  	_ =	swait.ge @!p0 [sflag:s17], $0x800  }
0x1e5: {  	[sflag:s17] =	ssyncset.done @!p0 $0x0  }
0x1e6: {  	s16 =	sadd.s32 $0x1, s16;
	[sflag:s17] =	ssyncadd.s32 @!p0 $0xFFFFF800  }
0x1e7: {  	p1 =	sne.s32 s16, $0x200;
	_ =	swait.ge @!p0 [sflag:s17], $0x800  }
.Ltmp32:
0x1e8: {  	[sflag:s17] =	ssyncset.done @!p0 $0x0;
	(pc) =	sbr.rel @p1 .LBB2_64-.Ltmp32, $4  }
0x1e9: {  	[sflag:s17] =	ssyncadd.s32 @!p0 $0xFFFFF800  }
0x1ea: {  	_ =	swait.ge @!p0 [sflag:s17], $0x800  }
0x1eb: {  	[sflag:s17] =	ssyncset.done @!p0 $0x0  }
0x1ec: {  	s15 =	sadd.s32 $0xFFFFFFFF, s15;
	s14 =	sadd.s32 $0x1, s14;
	[sflag:s17] =	ssyncadd.s32 @!p0 $0xFFFFF800  }
0x1ed: {  	_ =	swait.ge [sflag:s11], $0x1000  }
0x1ee: {  	[sflag:s11] =	ssyncset.done $0x0  }
0x1ef: {  	[sflag:s11] =	ssyncadd.s32 $0xFFFFF000  }
0x1f0: {  	_ =	swait.ge [sflag:s11], $0x800  }
0x1f1: {  	[sflag:s11] =	ssyncset.done $0x0  }
0x1f2: {  	[sflag:s11] =	ssyncadd.s32 $0xFFFFF800  }
0x1f3: {  	_ =	swait.ge [sflag:s11], $0x800  }
0x1f4: {  	[sflag:s11] =	ssyncset.done $0x0  }
0x1f5: {  	[sflag:s11] =	ssyncadd.s32 $0xFFFFF800  }
0x1f6: {  	_ =	swait.ge [sflag:s11], $0x800  }
0x1f7: {  	[sflag:s11] =	ssyncset.done $0x0  }
0x1f8: {  	[sflag:s11] =	ssyncadd.s32 $0xFFFFF800  }
0x1f9: {  	_ =	swait.ge [sflag:s11], $0x800  }
0x1fa: {  	[sflag:s11] =	ssyncset.done $0x0  }
0x1fb: {  	[sflag:s11] =	ssyncadd.s32 $0xFFFFF800  }
0x1fc: {  	_ =	swait.ge [sflag:s11], $0x800  }
0x1fd: {  	[sflag:s11] =	ssyncset.done $0x0  }
0x1fe: {  	[sflag:s11] =	ssyncadd.s32 $0xFFFFF800  }
0x1ff: {  	_ =	swait.ge [sflag:s11], $0x800  }
0x200: {  	[sflag:s11] =	ssyncset.done $0x0  }
0x201: {  	[sflag:s11] =	ssyncadd.s32 $0xFFFFF800  }
0x202: {  	_ =	swait.ge [sflag:s11], $0x1000  }
0x203: {  	[sflag:s11] =	ssyncset.done $0x0  }
0x204: {  	[sflag:s11] =	ssyncadd.s32 $0xFFFFF000  }
0x205: {  	_ =	swait.ge [sflag:s11], $0x800  }
0x206: {  	[sflag:s11] =	ssyncset.done $0x0  }
0x207: {  	[sflag:s11] =	ssyncadd.s32 $0xFFFFF800  }
0x208: {  	_ =	swait.ge [sflag:s11], $0x800  }
0x209: {  	[sflag:s11] =	ssyncset.done $0x0  }
0x20a: {  	[sflag:s11] =	ssyncadd.s32 $0xFFFFF800  }
0x20b: {  	_ =	swait.ge [sflag:s11], $0x800  }
0x20c: {  	[sflag:s11] =	ssyncset.done $0x0  }
0x20d: {  	[sflag:s11] =	ssyncadd.s32 $0xFFFFF800  }
0x20e: {  	_ =	swait.ge [sflag:s11], $0x800  }
0x20f: {  	[sflag:s11] =	ssyncset.done $0x0  }
0x210: {  	s12 =	sadd.s32 $0x1, s12;
	[sflag:s11] =	ssyncadd.s32 $0xFFFFF800  }
0x211: {  	p0 =	sne.s32 s12, s7;
	_ =	swait.ge [sflag:s11], $0x800  }
.Ltmp33:
0x212: {  	[sflag:s11] =	ssyncset.done $0x0;
	(pc) =	sbr.rel @p0 .LBB2_1-.Ltmp33, $4  }
0x213: {  	[sflag:s11] =	ssyncadd.s32 $0xFFFFF800  }
0x214: {  	_ =	swait.ge [sflag:s11], $0x800  }
0x215: {  	[sflag:s11] =	ssyncset.done $0x0  }
0x216: {  	[sflag:s11] =	ssyncadd.s32 $0xFFFFF800  }
0x217: {  	_ =	sfence.sel $0x180000  }
0x218: {  	[bflag:$0x0] =	sbarrier.arrive $0xFFFF  }
0x219: {  	p0 =	sne.s32 s0, $0x0;
	_ =	strace $0x90000047  }
0x21a: {  	s0 =	sadd.s32 @!p0 $0x100000, s1;
	[bflag:$0x2] =	sbarrier.arrive $0xFFFF  }
0x21b: {  	[sflag:s0] =	ssyncadd.tile.s32 @!p0 $0x1;
	_ =	shalt  }
.Lfunc_end2:
_tile_overlayer_lowered:
.L_overlay_start_2:
0x21c: {  	(tag) =	ssettag $0x2  }
0x21d: {  	s0 =	rddreg [dreg:$0x0];
	s2 =	stileid.u32  }
0x21e: {  	s1 =	rddreg [dreg:$0x1];
	p0 =	sne.s32 s2, $0x0  }
0x21f: {  	s3 =	rddreg [dreg:$0x2];
	[bflag:$0x3] =	sbarrier.arrive $0xFFFF;
	s2 =	simm.s32 @!p0 $0x1C02  }
0x220: {  	[timem:s3], [sflag:s2] =	dma.local @!p0 [hbm:s0], s1  }
0x221: {  	s0 =	simm.s32 @!p0 $0x2  }
0x222: {  	_ =	swait.ge @!p0 [sflag:s0], s1  }
0x223: {  	s1 =	ssub.s32 @!p0 $0x0, s1;
	[sflag:s0] =	ssyncset.done @!p0 $0x0  }
0x224: {  	[sflag:s0] =	ssyncadd.s32 @!p0 s1  }
0x225: {  	[bflag:$0x3] =	sbarrier.arrive $0xFFFF  }
0x226: {  	_ =	shalt  }

</sc_bundles>
